<compile_context>
chip_gen: v7x
topology: tpu7x:2x2x1
jax: 0.10.2.dev20260603
libtpu: 0.0.44.dev20260713+nightly
codegen_flags: <defaults>
</compile_context>

<pallas_src>
import functools

import jax
import jax.numpy as jnp
from jax import lax
from jax.experimental import pallas as pl
from jax.experimental.pallas import tpu as pltpu
from jax.experimental.pallas import tpu_sc as plsc

_T = 1000
_D = 128
_B = 16384

_NC = 2
_NS = 16
_NW = _NC * _NS
_BPW = _B // _NW

_CH = 128
_NCH = _BPW // _CH


def _proj_silu_kernel(emb_ref, w_ref, b_ref, out_ref):
    x = lax.dot_general(
        emb_ref[...], w_ref[...],
        dimension_numbers=(((1,), (1,)), ((), ())),
        preferred_element_type=jnp.float32,
    ) + b_ref[...]
    out_ref[...] = x * jax.nn.sigmoid(x)


def _project_table(embedding, W1, b1):
    return pl.pallas_call(
        _proj_silu_kernel,
        out_shape=jax.ShapeDtypeStruct((_T, _D), jnp.float32),
    )(embedding, W1, b1.reshape(1, _D))


_vector_mesh = plsc.VectorSubcoreMesh(core_axis_name="c", subcore_axis_name="s")


@functools.partial(
    pl.kernel,
    mesh=_vector_mesh,
    out_type=jax.ShapeDtypeStruct((_B, _D), jnp.float32),
    scratch_types=[
        pltpu.VMEM((_NCH, _CH), jnp.int32),
        pltpu.VMEM((2, _CH, _D), jnp.float32),
        pltpu.VMEM_SHARED((_T, _D), jnp.float32),
        pltpu.SemaphoreType.DMA((_NCH,)),
        pltpu.SemaphoreType.DMA((_NCH,)),
        pltpu.SemaphoreType.DMA,
    ],
)
def _gather_kernel(table_hbm, idx_hbm, out_hbm, idx_v, bufs, table_sp,
                   gsem, wsem, tsem):
    cid = lax.axis_index("c")
    sid = lax.axis_index("s")
    wid = sid * _NC + cid
    base = wid * _BPW

    stage_base = jnp.minimum(sid * 64, _T - 64)
    stage = pltpu.async_copy(table_hbm.at[pl.ds(stage_base, 64)],
                             table_sp.at[pl.ds(stage_base, 64)], tsem)

    idx_copies = [
        pltpu.async_copy(idx_hbm.at[pl.ds(base + i * _CH, _CH)], idx_v.at[i],
                         wsem.at[i])
        for i in range(_NCH)
    ]

    stage.wait()
    plsc.subcore_barrier()

    writes = []
    for i in range(_NCH):
        idx_copies[i].wait()
        if i >= 2:
            writes[i - 2].wait()
        g = pltpu.async_copy(table_sp.at[idx_v.at[i]], bufs.at[i % 2],
                             gsem.at[i])
        g.wait()
        writes.append(
            pltpu.async_copy(bufs.at[i % 2],
                             out_hbm.at[pl.ds(base + i * _CH, _CH)],
                             wsem.at[i]))
    writes[-2].wait()
    writes[-1].wait()


def kernel(diffusion_step, embedding, W1, b1):
    table = _project_table(embedding, W1, b1)
    idx = jnp.asarray(diffusion_step, jnp.int32)
    return _gather_kernel(table, idx)

# --- scband reference (transcript-rebuilt; emitter-appended) ---
"""Pipeline reference for scband-diffusion-encoding-87428354277591 (READ-ONLY COPY).

The authoritative reference and input builder live on the scoring server;
editing this copy changes nothing except your own understanding.
"""

import jax, jax.numpy as jnp
import numpy as np

NUM_STEPS = 1000
EMBED_DIM = 128
PROJ_DIM = 128
BATCH = 16384


def _build_embedding(num_steps, dim):
    # dim = embedding_dim / 2
    steps = jnp.arange(num_steps, dtype=jnp.float32)[:, None]            # [T, 1]
    frequencies = (10.0 ** (jnp.arange(dim, dtype=jnp.float32) / (dim - 1) * 4.0))[None, :]  # [1, dim]
    table = steps * frequencies                                           # [T, dim]
    table = jnp.concatenate([jnp.sin(table), jnp.cos(table)], axis=1)     # [T, 2*dim]
    return table


def setup_inputs(seed: int = 0) -> dict:
    key = jax.random.key(seed)
    k1, k2 = jax.random.split(key, 2)
    diffusion_step = jax.random.randint(k1, (BATCH,), 0, NUM_STEPS)
    embedding = _build_embedding(NUM_STEPS, EMBED_DIM // 2)               # [1000, 128] buffer
    # projection1: nn.Linear(embedding_dim, projection_dim)
    W1 = jax.random.normal(k2, (PROJ_DIM, EMBED_DIM), dtype=jnp.float32) * 0.05  # torch Linear weight [out, in]
    b1 = jnp.zeros((PROJ_DIM,), dtype=jnp.float32)
    return {"diffusion_step": diffusion_step, "embedding": embedding, "W1": W1, "b1": b1}


def reference(diffusion_step, embedding, W1, b1):
    # emd = self.embedding[diffusion_step]
    emd = jnp.take(embedding, diffusion_step, axis=0)   # [B, 128] gather
    # emd = self.projection1(emd)
    emd = emd @ W1.T + b1                               # [B, 128]
    # emd = F.silu(emd)
    emd = emd * jax.nn.sigmoid(emd)
    # dropout: identity in eval mode
    return emd

if __name__ == "__main__":
    import jax
    _d = setup_inputs()
    print(jax.jit(kernel)(*tuple(_d.values())))

</pallas_src>

<mosaic_0001>
#map = affine_map<(d0, d1) -> (0, 0)>
#map1 = affine_map<(d0, d1) -> (0)>
module attributes {stable_mosaic.version = 14 : i64} {
  func.func @_gather_kernel(%arg0: i32, %arg1: i32, %arg2: memref<1000x128xf32, #tpu.memory_space<hbm>>, %arg3: memref<16384xi32, #tpu.memory_space<hbm>>, %arg4: memref<16384x128xf32, #tpu.memory_space<hbm>>, %arg5: memref<4x128xi32, #tpu.memory_space<vmem>>, %arg6: memref<2x128x128xf32, #tpu.memory_space<vmem>>, %arg7: memref<1000x128xf32, #tpu.memory_space<vmem_shared>>, %arg8: memref<4x!tpu.dma_semaphore, #tpu.memory_space<semaphore_mem>>, %arg9: memref<4x!tpu.dma_semaphore, #tpu.memory_space<semaphore_mem>>, %arg10: memref<!tpu.dma_semaphore, #tpu.memory_space<semaphore_mem>>) attributes {dimension_semantics = [#tpu.dimension_semantics<core_parallel>, #tpu.dimension_semantics<subcore_parallel>], iteration_bounds = array<i64: 2, 16>, scalar_prefetch = 0 : i64, scratch_operands = 6 : i64, tpu.core_type = #tpu.core_type<sc_vector_subcore>, window_params = [{transform_indices = #map}, {transform_indices = #map1}, {transform_indices = #map}]} {
    %mul3A = arith.constant 2 : i32
    %mul3A_0 = arith.muli %arg1, %mul3A : i32
    %add3A = arith.addi %mul3A_0, %arg0 : i32
    %mul3A_1 = arith.constant 512 : i32
    %mul3A_2 = arith.muli %add3A, %mul3A_1 : i32
    %mul3A_3 = arith.constant 64 : i32
    %mul3A_4 = arith.muli %arg1, %mul3A_3 : i32
    %min3A = arith.constant 936 : i32
    %min3A_5 = arith.minsi %mul3A_4, %min3A : i32
    %dma_start3A = arith.constant 0 : i32
    %dma_start3A_6 = tpu.memref_slice %arg7[%min3A_5, %dma_start3A] : memref<1000x128xf32, #tpu.memory_space<vmem_shared>> -> memref<64x128xf32, #tpu.memory_space<vmem_shared>>
    %dma_start3A_7 = arith.constant 0 : i32
    %dma_start3A_8 = tpu.memref_slice %arg2[%min3A_5, %dma_start3A_7] : memref<1000x128xf32, #tpu.memory_space<hbm>> -> memref<64x128xf32, #tpu.memory_space<hbm>>
    tpu.enqueue_dma source(%dma_start3A_8 : memref<64x128xf32, #tpu.memory_space<hbm>>) target(%dma_start3A_6 : memref<64x128xf32, #tpu.memory_space<vmem_shared>>) target_semaphore(%arg10 : memref<!tpu.dma_semaphore, #tpu.memory_space<semaphore_mem>>)
    %add3A_9 = arith.constant 0 : i32
    %add3A_10 = arith.addi %mul3A_2, %add3A_9 : i32
    %dma_start3A_11 = arith.constant 0 : i32
    %dma_start3A_12 = arith.constant 0 : i32
    %dma_start3A_13 = arith.constant 0 : i32
    %dma_start3A_14 = tpu.memref_slice %arg5[%dma_start3A_11, %dma_start3A_13] : memref<4x128xi32, #tpu.memory_space<vmem>> -> memref<1x128xi32, #tpu.memory_space<vmem>>
    %dma_start3A_15 = tpu.memref_squeeze %dma_start3A_14 : memref<1x128xi32, #tpu.memory_space<vmem>> -> memref<128xi32, #tpu.memory_space<vmem>>
    %dma_start3A_16 = tpu.memref_slice %arg3[%add3A_10] : memref<16384xi32, #tpu.memory_space<hbm>> -> memref<128xi32, #tpu.memory_space<hbm>>
    %dma_start3A_17 = tpu.memref_slice %arg9[%dma_start3A_12] : memref<4x!tpu.dma_semaphore, #tpu.memory_space<semaphore_mem>> -> memref<1x!tpu.dma_semaphore, #tpu.memory_space<semaphore_mem>>
    %dma_start3A_18 = tpu.memref_squeeze %dma_start3A_17 : memref<1x!tpu.dma_semaphore, #tpu.memory_space<semaphore_mem>> -> memref<!tpu.dma_semaphore, #tpu.memory_space<semaphore_mem>>
    %dma_start3A_19 = arith.constant 0 : i32
    %dma_start3A_20 = tpu.memref_slice %arg5[%dma_start3A_11, %dma_start3A_19] : memref<4x128xi32, #tpu.memory_space<vmem>> -> memref<1x128xi32, #tpu.memory_space<vmem>>
    %dma_start3A_21 = tpu.memref_squeeze %dma_start3A_20 : memref<1x128xi32, #tpu.memory_space<vmem>> -> memref<128xi32, #tpu.memory_space<vmem>>
    %dma_start3A_22 = tpu.memref_slice %arg3[%add3A_10] : memref<16384xi32, #tpu.memory_space<hbm>> -> memref<128xi32, #tpu.memory_space<hbm>>
    tpu.enqueue_dma source(%dma_start3A_22 : memref<128xi32, #tpu.memory_space<hbm>>) target(%dma_start3A_21 : memref<128xi32, #tpu.memory_space<vmem>>) target_semaphore(%dma_start3A_18 : memref<!tpu.dma_semaphore, #tpu.memory_space<semaphore_mem>>)
    %add3A_23 = arith.constant 128 : i32
    %add3A_24 = arith.addi %mul3A_2, %add3A_23 : i32
    %dma_start3A_25 = arith.constant 1 : i32
    %dma_start3A_26 = arith.constant 1 : i32
    %dma_start3A_27 = arith.constant 0 : i32
    %dma_start3A_28 = tpu.memref_slice %arg5[%dma_start3A_25, %dma_start3A_27] : memref<4x128xi32, #tpu.memory_space<vmem>> -> memref<1x128xi32, #tpu.memory_space<vmem>>
    %dma_start3A_29 = tpu.memref_squeeze %dma_start3A_28 : memref<1x128xi32, #tpu.memory_space<vmem>> -> memref<128xi32, #tpu.memory_space<vmem>>
    %dma_start3A_30 = tpu.memref_slice %arg3[%add3A_24] : memref<16384xi32, #tpu.memory_space<hbm>> -> memref<128xi32, #tpu.memory_space<hbm>>
    %dma_start3A_31 = tpu.memref_slice %arg9[%dma_start3A_26] : memref<4x!tpu.dma_semaphore, #tpu.memory_space<semaphore_mem>> -> memref<1x!tpu.dma_semaphore, #tpu.memory_space<semaphore_mem>>
    %dma_start3A_32 = tpu.memref_squeeze %dma_start3A_31 : memref<1x!tpu.dma_semaphore, #tpu.memory_space<semaphore_mem>> -> memref<!tpu.dma_semaphore, #tpu.memory_space<semaphore_mem>>
    %dma_start3A_33 = arith.constant 0 : i32
    %dma_start3A_34 = tpu.memref_slice %arg5[%dma_start3A_25, %dma_start3A_33] : memref<4x128xi32, #tpu.memory_space<vmem>> -> memref<1x128xi32, #tpu.memory_space<vmem>>
    %dma_start3A_35 = tpu.memref_squeeze %dma_start3A_34 : memref<1x128xi32, #tpu.memory_space<vmem>> -> memref<128xi32, #tpu.memory_space<vmem>>
    %dma_start3A_36 = tpu.memref_slice %arg3[%add3A_24] : memref<16384xi32, #tpu.memory_space<hbm>> -> memref<128xi32, #tpu.memory_space<hbm>>
    tpu.enqueue_dma source(%dma_start3A_36 : memref<128xi32, #tpu.memory_space<hbm>>) target(%dma_start3A_35 : memref<128xi32, #tpu.memory_space<vmem>>) target_semaphore(%dma_start3A_32 : memref<!tpu.dma_semaphore, #tpu.memory_space<semaphore_mem>>)
    %add3A_37 = arith.constant 256 : i32
    %add3A_38 = arith.addi %mul3A_2, %add3A_37 : i32
    %dma_start3A_39 = arith.constant 2 : i32
    %dma_start3A_40 = arith.constant 2 : i32
    %dma_start3A_41 = arith.constant 0 : i32
    %dma_start3A_42 = tpu.memref_slice %arg5[%dma_start3A_39, %dma_start3A_41] : memref<4x128xi32, #tpu.memory_space<vmem>> -> memref<1x128xi32, #tpu.memory_space<vmem>>
    %dma_start3A_43 = tpu.memref_squeeze %dma_start3A_42 : memref<1x128xi32, #tpu.memory_space<vmem>> -> memref<128xi32, #tpu.memory_space<vmem>>
    %dma_start3A_44 = tpu.memref_slice %arg3[%add3A_38] : memref<16384xi32, #tpu.memory_space<hbm>> -> memref<128xi32, #tpu.memory_space<hbm>>
    %dma_start3A_45 = tpu.memref_slice %arg9[%dma_start3A_40] : memref<4x!tpu.dma_semaphore, #tpu.memory_space<semaphore_mem>> -> memref<1x!tpu.dma_semaphore, #tpu.memory_space<semaphore_mem>>
    %dma_start3A_46 = tpu.memref_squeeze %dma_start3A_45 : memref<1x!tpu.dma_semaphore, #tpu.memory_space<semaphore_mem>> -> memref<!tpu.dma_semaphore, #tpu.memory_space<semaphore_mem>>
    %dma_start3A_47 = arith.constant 0 : i32
    %dma_start3A_48 = tpu.memref_slice %arg5[%dma_start3A_39, %dma_start3A_47] : memref<4x128xi32, #tpu.memory_space<vmem>> -> memref<1x128xi32, #tpu.memory_space<vmem>>
    %dma_start3A_49 = tpu.memref_squeeze %dma_start3A_48 : memref<1x128xi32, #tpu.memory_space<vmem>> -> memref<128xi32, #tpu.memory_space<vmem>>
    %dma_start3A_50 = tpu.memref_slice %arg3[%add3A_38] : memref<16384xi32, #tpu.memory_space<hbm>> -> memref<128xi32, #tpu.memory_space<hbm>>
    tpu.enqueue_dma source(%dma_start3A_50 : memref<128xi32, #tpu.memory_space<hbm>>) target(%dma_start3A_49 : memref<128xi32, #tpu.memory_space<vmem>>) target_semaphore(%dma_start3A_46 : memref<!tpu.dma_semaphore, #tpu.memory_space<semaphore_mem>>)
    %add3A_51 = arith.constant 384 : i32
    %add3A_52 = arith.addi %mul3A_2, %add3A_51 : i32
    %dma_start3A_53 = arith.constant 3 : i32
    %dma_start3A_54 = arith.constant 3 : i32
    %dma_start3A_55 = arith.constant 0 : i32
    %dma_start3A_56 = tpu.memref_slice %arg5[%dma_start3A_53, %dma_start3A_55] : memref<4x128xi32, #tpu.memory_space<vmem>> -> memref<1x128xi32, #tpu.memory_space<vmem>>
    %dma_start3A_57 = tpu.memref_squeeze %dma_start3A_56 : memref<1x128xi32, #tpu.memory_space<vmem>> -> memref<128xi32, #tpu.memory_space<vmem>>
    %dma_start3A_58 = tpu.memref_slice %arg3[%add3A_52] : memref<16384xi32, #tpu.memory_space<hbm>> -> memref<128xi32, #tpu.memory_space<hbm>>
    %dma_start3A_59 = tpu.memref_slice %arg9[%dma_start3A_54] : memref<4x!tpu.dma_semaphore, #tpu.memory_space<semaphore_mem>> -> memref<1x!tpu.dma_semaphore, #tpu.memory_space<semaphore_mem>>
    %dma_start3A_60 = tpu.memref_squeeze %dma_start3A_59 : memref<1x!tpu.dma_semaphore, #tpu.memory_space<semaphore_mem>> -> memref<!tpu.dma_semaphore, #tpu.memory_space<semaphore_mem>>
    %dma_start3A_61 = arith.constant 0 : i32
    %dma_start3A_62 = tpu.memref_slice %arg5[%dma_start3A_53, %dma_start3A_61] : memref<4x128xi32, #tpu.memory_space<vmem>> -> memref<1x128xi32, #tpu.memory_space<vmem>>
    %dma_start3A_63 = tpu.memref_squeeze %dma_start3A_62 : memref<1x128xi32, #tpu.memory_space<vmem>> -> memref<128xi32, #tpu.memory_space<vmem>>
    %dma_start3A_64 = tpu.memref_slice %arg3[%add3A_52] : memref<16384xi32, #tpu.memory_space<hbm>> -> memref<128xi32, #tpu.memory_space<hbm>>
    tpu.enqueue_dma source(%dma_start3A_64 : memref<128xi32, #tpu.memory_space<hbm>>) target(%dma_start3A_63 : memref<128xi32, #tpu.memory_space<vmem>>) target_semaphore(%dma_start3A_60 : memref<!tpu.dma_semaphore, #tpu.memory_space<semaphore_mem>>)
    %dma_wait3A = arith.constant 0 : i32
    %dma_wait3A_65 = tpu.memref_slice %arg7[%min3A_5, %dma_wait3A] : memref<1000x128xf32, #tpu.memory_space<vmem_shared>> -> memref<64x128xf32, #tpu.memory_space<vmem_shared>>
    %dma_wait3A_66 = arith.constant 0 : i32
    %dma_wait3A_67 = tpu.memref_slice %arg2[%min3A_5, %dma_wait3A_66] : memref<1000x128xf32, #tpu.memory_space<hbm>> -> memref<64x128xf32, #tpu.memory_space<hbm>>
    tpu.wait_dma2 semaphore(%arg10 : memref<!tpu.dma_semaphore, #tpu.memory_space<semaphore_mem>>) src(%dma_wait3A_67 : memref<64x128xf32, #tpu.memory_space<hbm>>) dst(%dma_wait3A_65 : memref<64x128xf32, #tpu.memory_space<vmem_shared>>)
    %barrier3A = arith.constant 0 : index
    tpu.barrier barrier_id(%barrier3A)
    %dma_wait3A_68 = arith.constant 0 : i32
    %dma_wait3A_69 = arith.constant 0 : i32
    %dma_wait3A_70 = arith.constant 0 : i32
    %dma_wait3A_71 = tpu.memref_slice %arg5[%dma_wait3A_68, %dma_wait3A_70] : memref<4x128xi32, #tpu.memory_space<vmem>> -> memref<1x128xi32, #tpu.memory_space<vmem>>
    %dma_wait3A_72 = tpu.memref_squeeze %dma_wait3A_71 : memref<1x128xi32, #tpu.memory_space<vmem>> -> memref<128xi32, #tpu.memory_space<vmem>>
    %dma_wait3A_73 = tpu.memref_slice %arg3[%add3A_10] : memref<16384xi32, #tpu.memory_space<hbm>> -> memref<128xi32, #tpu.memory_space<hbm>>
    %dma_wait3A_74 = tpu.memref_slice %arg9[%dma_wait3A_69] : memref<4x!tpu.dma_semaphore, #tpu.memory_space<semaphore_mem>> -> memref<1x!tpu.dma_semaphore, #tpu.memory_space<semaphore_mem>>
    %dma_wait3A_75 = tpu.memref_squeeze %dma_wait3A_74 : memref<1x!tpu.dma_semaphore, #tpu.memory_space<semaphore_mem>> -> memref<!tpu.dma_semaphore, #tpu.memory_space<semaphore_mem>>
    %dma_wait3A_76 = arith.constant 0 : i32
    %dma_wait3A_77 = tpu.memref_slice %arg5[%dma_wait3A_68, %dma_wait3A_76] : memref<4x128xi32, #tpu.memory_space<vmem>> -> memref<1x128xi32, #tpu.memory_space<vmem>>
    %dma_wait3A_78 = tpu.memref_squeeze %dma_wait3A_77 : memref<1x128xi32, #tpu.memory_space<vmem>> -> memref<128xi32, #tpu.memory_space<vmem>>
    %dma_wait3A_79 = tpu.memref_slice %arg3[%add3A_10] : memref<16384xi32, #tpu.memory_space<hbm>> -> memref<128xi32, #tpu.memory_space<hbm>>
    tpu.wait_dma2 semaphore(%dma_wait3A_75 : memref<!tpu.dma_semaphore, #tpu.memory_space<semaphore_mem>>) src(%dma_wait3A_79 : memref<128xi32, #tpu.memory_space<hbm>>) dst(%dma_wait3A_78 : memref<128xi32, #tpu.memory_space<vmem>>)
    %dma_start3A_80 = arith.constant 0 : i32
    %dma_start3A_81 = arith.constant 0 : i32
    %dma_start3A_82 = arith.constant 0 : i32
    %dma_start3A_83 = arith.constant 0 : i32
    %dma_start3A_84 = arith.constant 0 : i32
    %dma_start3A_85 = tpu.memref_slice %arg6[%dma_start3A_81, %dma_start3A_83, %dma_start3A_84] : memref<2x128x128xf32, #tpu.memory_space<vmem>> -> memref<1x128x128xf32, #tpu.memory_space<vmem>>
    %dma_start3A_86 = tpu.memref_squeeze %dma_start3A_85 : memref<1x128x128xf32, #tpu.memory_space<vmem>> -> memref<128x128xf32, #tpu.memory_space<vmem>>
    %dma_start3A_87 = arith.constant 0 : i32
    %dma_start3A_88 = tpu.memref_slice %arg5[%dma_start3A_80, %dma_start3A_87] : memref<4x128xi32, #tpu.memory_space<vmem>> -> memref<1x128xi32, #tpu.memory_space<vmem>>
    %dma_start3A_89 = tpu.memref_squeeze %dma_start3A_88 : memref<1x128xi32, #tpu.memory_space<vmem>> -> memref<128xi32, #tpu.memory_space<vmem>>
    %dma_start3A_90 = arith.constant 0 : i32
    %dma_start3A_91 = arith.constant 0 : i32
    %dma_start3A_92 = tpu.memref_slice %arg7[%dma_start3A_90, %dma_start3A_91] : memref<1000x128xf32, #tpu.memory_space<vmem_shared>> -> memref<1000x128xf32, #tpu.memory_space<vmem_shared>>
    %dma_start3A_93 = tpu.memref_slice %arg8[%dma_start3A_82] : memref<4x!tpu.dma_semaphore, #tpu.memory_space<semaphore_mem>> -> memref<1x!tpu.dma_semaphore, #tpu.memory_space<semaphore_mem>>
    %dma_start3A_94 = tpu.memref_squeeze %dma_start3A_93 : memref<1x!tpu.dma_semaphore, #tpu.memory_space<semaphore_mem>> -> memref<!tpu.dma_semaphore, #tpu.memory_space<semaphore_mem>>
    tpu.enqueue_indirect_dma source(%dma_start3A_92 : memref<1000x128xf32, #tpu.memory_space<vmem_shared>>) target(%dma_start3A_86 : memref<128x128xf32, #tpu.memory_space<vmem>>) offsets(%dma_start3A_89 : memref<128xi32, #tpu.memory_space<vmem>>) semaphore(%dma_start3A_94 : memref<!tpu.dma_semaphore, #tpu.memory_space<semaphore_mem>>)
    %dma_wait3A_95 = arith.constant 0 : i32
    %dma_wait3A_96 = arith.constant 0 : i32
    %dma_wait3A_97 = arith.constant 0 : i32
    %dma_wait3A_98 = arith.constant 0 : i32
    %dma_wait3A_99 = arith.constant 0 : i32
    %dma_wait3A_100 = tpu.memref_slice %arg6[%dma_wait3A_96, %dma_wait3A_98, %dma_wait3A_99] : memref<2x128x128xf32, #tpu.memory_space<vmem>> -> memref<1x128x128xf32, #tpu.memory_space<vmem>>
    %dma_wait3A_101 = tpu.memref_squeeze %dma_wait3A_100 : memref<1x128x128xf32, #tpu.memory_space<vmem>> -> memref<128x128xf32, #tpu.memory_space<vmem>>
    %dma_wait3A_102 = arith.constant 0 : i32
    %dma_wait3A_103 = tpu.memref_slice %arg5[%dma_wait3A_95, %dma_wait3A_102] : memref<4x128xi32, #tpu.memory_space<vmem>> -> memref<1x128xi32, #tpu.memory_space<vmem>>
    %dma_wait3A_104 = tpu.memref_squeeze %dma_wait3A_103 : memref<1x128xi32, #tpu.memory_space<vmem>> -> memref<128xi32, #tpu.memory_space<vmem>>
    %dma_wait3A_105 = arith.constant 0 : i32
    %dma_wait3A_106 = arith.constant 0 : i32
    %dma_wait3A_107 = tpu.memref_slice %arg7[%dma_wait3A_105, %dma_wait3A_106] : memref<1000x128xf32, #tpu.memory_space<vmem_shared>> -> memref<1000x128xf32, #tpu.memory_space<vmem_shared>>
    %dma_wait3A_108 = tpu.memref_slice %arg8[%dma_wait3A_97] : memref<4x!tpu.dma_semaphore, #tpu.memory_space<semaphore_mem>> -> memref<1x!tpu.dma_semaphore, #tpu.memory_space<semaphore_mem>>
    %dma_wait3A_109 = tpu.memref_squeeze %dma_wait3A_108 : memref<1x!tpu.dma_semaphore, #tpu.memory_space<semaphore_mem>> -> memref<!tpu.dma_semaphore, #tpu.memory_space<semaphore_mem>>
    tpu.wait_indirect_dma semaphore(%dma_wait3A_109 : memref<!tpu.dma_semaphore, #tpu.memory_space<semaphore_mem>>) src(%dma_wait3A_107 : memref<1000x128xf32, #tpu.memory_space<vmem_shared>>) dst(%dma_wait3A_101 : memref<128x128xf32, #tpu.memory_space<vmem>>)
    %add3A_110 = arith.constant 0 : i32
    %add3A_111 = arith.addi %mul3A_2, %add3A_110 : i32
    %dma_start3A_112 = arith.constant 0 : i32
    %dma_start3A_113 = arith.constant 0 : i32
    %dma_start3A_114 = arith.constant 0 : i32
    %dma_start3A_115 = arith.constant 0 : i32
    %dma_start3A_116 = tpu.memref_slice %arg6[%dma_start3A_112, %dma_start3A_114, %dma_start3A_115] : memref<2x128x128xf32, #tpu.memory_space<vmem>> -> memref<1x128x128xf32, #tpu.memory_space<vmem>>
    %dma_start3A_117 = tpu.memref_squeeze %dma_start3A_116 : memref<1x128x128xf32, #tpu.memory_space<vmem>> -> memref<128x128xf32, #tpu.memory_space<vmem>>
    %dma_start3A_118 = arith.constant 0 : i32
    %dma_start3A_119 = tpu.memref_slice %arg4[%add3A_111, %dma_start3A_118] : memref<16384x128xf32, #tpu.memory_space<hbm>> -> memref<128x128xf32, #tpu.memory_space<hbm>>
    %dma_start3A_120 = tpu.memref_slice %arg9[%dma_start3A_113] : memref<4x!tpu.dma_semaphore, #tpu.memory_space<semaphore_mem>> -> memref<1x!tpu.dma_semaphore, #tpu.memory_space<semaphore_mem>>
    %dma_start3A_121 = tpu.memref_squeeze %dma_start3A_120 : memref<1x!tpu.dma_semaphore, #tpu.memory_space<semaphore_mem>> -> memref<!tpu.dma_semaphore, #tpu.memory_space<semaphore_mem>>
    %dma_start3A_122 = arith.constant 0 : i32
    %dma_start3A_123 = tpu.memref_slice %arg4[%add3A_111, %dma_start3A_122] : memref<16384x128xf32, #tpu.memory_space<hbm>> -> memref<128x128xf32, #tpu.memory_space<hbm>>
    %dma_start3A_124 = arith.constant 0 : i32
    %dma_start3A_125 = arith.constant 0 : i32
    %dma_start3A_126 = tpu.memref_slice %arg6[%dma_start3A_112, %dma_start3A_124, %dma_start3A_125] : memref<2x128x128xf32, #tpu.memory_space<vmem>> -> memref<1x128x128xf32, #tpu.memory_space<vmem>>
    %dma_start3A_127 = tpu.memref_squeeze %dma_start3A_126 : memref<1x128x128xf32, #tpu.memory_space<vmem>> -> memref<128x128xf32, #tpu.memory_space<vmem>>
    tpu.enqueue_dma source(%dma_start3A_127 : memref<128x128xf32, #tpu.memory_space<vmem>>) target(%dma_start3A_123 : memref<128x128xf32, #tpu.memory_space<hbm>>) target_semaphore(%dma_start3A_121 : memref<!tpu.dma_semaphore, #tpu.memory_space<semaphore_mem>>)
    %dma_wait3A_128 = arith.constant 1 : i32
    %dma_wait3A_129 = arith.constant 1 : i32
    %dma_wait3A_130 = arith.constant 0 : i32
    %dma_wait3A_131 = tpu.memref_slice %arg5[%dma_wait3A_128, %dma_wait3A_130] : memref<4x128xi32, #tpu.memory_space<vmem>> -> memref<1x128xi32, #tpu.memory_space<vmem>>
    %dma_wait3A_132 = tpu.memref_squeeze %dma_wait3A_131 : memref<1x128xi32, #tpu.memory_space<vmem>> -> memref<128xi32, #tpu.memory_space<vmem>>
    %dma_wait3A_133 = tpu.memref_slice %arg3[%add3A_24] : memref<16384xi32, #tpu.memory_space<hbm>> -> memref<128xi32, #tpu.memory_space<hbm>>
    %dma_wait3A_134 = tpu.memref_slice %arg9[%dma_wait3A_129] : memref<4x!tpu.dma_semaphore, #tpu.memory_space<semaphore_mem>> -> memref<1x!tpu.dma_semaphore, #tpu.memory_space<semaphore_mem>>
    %dma_wait3A_135 = tpu.memref_squeeze %dma_wait3A_134 : memref<1x!tpu.dma_semaphore, #tpu.memory_space<semaphore_mem>> -> memref<!tpu.dma_semaphore, #tpu.memory_space<semaphore_mem>>
    %dma_wait3A_136 = arith.constant 0 : i32
    %dma_wait3A_137 = tpu.memref_slice %arg5[%dma_wait3A_128, %dma_wait3A_136] : memref<4x128xi32, #tpu.memory_space<vmem>> -> memref<1x128xi32, #tpu.memory_space<vmem>>
    %dma_wait3A_138 = tpu.memref_squeeze %dma_wait3A_137 : memref<1x128xi32, #tpu.memory_space<vmem>> -> memref<128xi32, #tpu.memory_space<vmem>>
    %dma_wait3A_139 = tpu.memref_slice %arg3[%add3A_24] : memref<16384xi32, #tpu.memory_space<hbm>> -> memref<128xi32, #tpu.memory_space<hbm>>
    tpu.wait_dma2 semaphore(%dma_wait3A_135 : memref<!tpu.dma_semaphore, #tpu.memory_space<semaphore_mem>>) src(%dma_wait3A_139 : memref<128xi32, #tpu.memory_space<hbm>>) dst(%dma_wait3A_138 : memref<128xi32, #tpu.memory_space<vmem>>)
    %dma_start3A_140 = arith.constant 1 : i32
    %dma_start3A_141 = arith.constant 1 : i32
    %dma_start3A_142 = arith.constant 1 : i32
    %dma_start3A_143 = arith.constant 0 : i32
    %dma_start3A_144 = arith.constant 0 : i32
    %dma_start3A_145 = tpu.memref_slice %arg6[%dma_start3A_141, %dma_start3A_143, %dma_start3A_144] : memref<2x128x128xf32, #tpu.memory_space<vmem>> -> memref<1x128x128xf32, #tpu.memory_space<vmem>>
    %dma_start3A_146 = tpu.memref_squeeze %dma_start3A_145 : memref<1x128x128xf32, #tpu.memory_space<vmem>> -> memref<128x128xf32, #tpu.memory_space<vmem>>
    %dma_start3A_147 = arith.constant 0 : i32
    %dma_start3A_148 = tpu.memref_slice %arg5[%dma_start3A_140, %dma_start3A_147] : memref<4x128xi32, #tpu.memory_space<vmem>> -> memref<1x128xi32, #tpu.memory_space<vmem>>
    %dma_start3A_149 = tpu.memref_squeeze %dma_start3A_148 : memref<1x128xi32, #tpu.memory_space<vmem>> -> memref<128xi32, #tpu.memory_space<vmem>>
    %dma_start3A_150 = arith.constant 0 : i32
    %dma_start3A_151 = arith.constant 0 : i32
    %dma_start3A_152 = tpu.memref_slice %arg7[%dma_start3A_150, %dma_start3A_151] : memref<1000x128xf32, #tpu.memory_space<vmem_shared>> -> memref<1000x128xf32, #tpu.memory_space<vmem_shared>>
    %dma_start3A_153 = tpu.memref_slice %arg8[%dma_start3A_142] : memref<4x!tpu.dma_semaphore, #tpu.memory_space<semaphore_mem>> -> memref<1x!tpu.dma_semaphore, #tpu.memory_space<semaphore_mem>>
    %dma_start3A_154 = tpu.memref_squeeze %dma_start3A_153 : memref<1x!tpu.dma_semaphore, #tpu.memory_space<semaphore_mem>> -> memref<!tpu.dma_semaphore, #tpu.memory_space<semaphore_mem>>
    tpu.enqueue_indirect_dma source(%dma_start3A_152 : memref<1000x128xf32, #tpu.memory_space<vmem_shared>>) target(%dma_start3A_146 : memref<128x128xf32, #tpu.memory_space<vmem>>) offsets(%dma_start3A_149 : memref<128xi32, #tpu.memory_space<vmem>>) semaphore(%dma_start3A_154 : memref<!tpu.dma_semaphore, #tpu.memory_space<semaphore_mem>>)
    %dma_wait3A_155 = arith.constant 1 : i32
    %dma_wait3A_156 = arith.constant 1 : i32
    %dma_wait3A_157 = arith.constant 1 : i32
    %dma_wait3A_158 = arith.constant 0 : i32
    %dma_wait3A_159 = arith.constant 0 : i32
    %dma_wait3A_160 = tpu.memref_slice %arg6[%dma_wait3A_156, %dma_wait3A_158, %dma_wait3A_159] : memref<2x128x128xf32, #tpu.memory_space<vmem>> -> memref<1x128x128xf32, #tpu.memory_space<vmem>>
    %dma_wait3A_161 = tpu.memref_squeeze %dma_wait3A_160 : memref<1x128x128xf32, #tpu.memory_space<vmem>> -> memref<128x128xf32, #tpu.memory_space<vmem>>
    %dma_wait3A_162 = arith.constant 0 : i32
    %dma_wait3A_163 = tpu.memref_slice %arg5[%dma_wait3A_155, %dma_wait3A_162] : memref<4x128xi32, #tpu.memory_space<vmem>> -> memref<1x128xi32, #tpu.memory_space<vmem>>
    %dma_wait3A_164 = tpu.memref_squeeze %dma_wait3A_163 : memref<1x128xi32, #tpu.memory_space<vmem>> -> memref<128xi32, #tpu.memory_space<vmem>>
    %dma_wait3A_165 = arith.constant 0 : i32
    %dma_wait3A_166 = arith.constant 0 : i32
    %dma_wait3A_167 = tpu.memref_slice %arg7[%dma_wait3A_165, %dma_wait3A_166] : memref<1000x128xf32, #tpu.memory_space<vmem_shared>> -> memref<1000x128xf32, #tpu.memory_space<vmem_shared>>
    %dma_wait3A_168 = tpu.memref_slice %arg8[%dma_wait3A_157] : memref<4x!tpu.dma_semaphore, #tpu.memory_space<semaphore_mem>> -> memref<1x!tpu.dma_semaphore, #tpu.memory_space<semaphore_mem>>
    %dma_wait3A_169 = tpu.memref_squeeze %dma_wait3A_168 : memref<1x!tpu.dma_semaphore, #tpu.memory_space<semaphore_mem>> -> memref<!tpu.dma_semaphore, #tpu.memory_space<semaphore_mem>>
    tpu.wait_indirect_dma semaphore(%dma_wait3A_169 : memref<!tpu.dma_semaphore, #tpu.memory_space<semaphore_mem>>) src(%dma_wait3A_167 : memref<1000x128xf32, #tpu.memory_space<vmem_shared>>) dst(%dma_wait3A_161 : memref<128x128xf32, #tpu.memory_space<vmem>>)
    %add3A_170 = arith.constant 128 : i32
    %add3A_171 = arith.addi %mul3A_2, %add3A_170 : i32
    %dma_start3A_172 = arith.constant 1 : i32
    %dma_start3A_173 = arith.constant 1 : i32
    %dma_start3A_174 = arith.constant 0 : i32
    %dma_start3A_175 = arith.constant 0 : i32
    %dma_start3A_176 = tpu.memref_slice %arg6[%dma_start3A_172, %dma_start3A_174, %dma_start3A_175] : memref<2x128x128xf32, #tpu.memory_space<vmem>> -> memref<1x128x128xf32, #tpu.memory_space<vmem>>
    %dma_start3A_177 = tpu.memref_squeeze %dma_start3A_176 : memref<1x128x128xf32, #tpu.memory_space<vmem>> -> memref<128x128xf32, #tpu.memory_space<vmem>>
    %dma_start3A_178 = arith.constant 0 : i32
    %dma_start3A_179 = tpu.memref_slice %arg4[%add3A_171, %dma_start3A_178] : memref<16384x128xf32, #tpu.memory_space<hbm>> -> memref<128x128xf32, #tpu.memory_space<hbm>>
    %dma_start3A_180 = tpu.memref_slice %arg9[%dma_start3A_173] : memref<4x!tpu.dma_semaphore, #tpu.memory_space<semaphore_mem>> -> memref<1x!tpu.dma_semaphore, #tpu.memory_space<semaphore_mem>>
    %dma_start3A_181 = tpu.memref_squeeze %dma_start3A_180 : memref<1x!tpu.dma_semaphore, #tpu.memory_space<semaphore_mem>> -> memref<!tpu.dma_semaphore, #tpu.memory_space<semaphore_mem>>
    %dma_start3A_182 = arith.constant 0 : i32
    %dma_start3A_183 = tpu.memref_slice %arg4[%add3A_171, %dma_start3A_182] : memref<16384x128xf32, #tpu.memory_space<hbm>> -> memref<128x128xf32, #tpu.memory_space<hbm>>
    %dma_start3A_184 = arith.constant 0 : i32
    %dma_start3A_185 = arith.constant 0 : i32
    %dma_start3A_186 = tpu.memref_slice %arg6[%dma_start3A_172, %dma_start3A_184, %dma_start3A_185] : memref<2x128x128xf32, #tpu.memory_space<vmem>> -> memref<1x128x128xf32, #tpu.memory_space<vmem>>
    %dma_start3A_187 = tpu.memref_squeeze %dma_start3A_186 : memref<1x128x128xf32, #tpu.memory_space<vmem>> -> memref<128x128xf32, #tpu.memory_space<vmem>>
    tpu.enqueue_dma source(%dma_start3A_187 : memref<128x128xf32, #tpu.memory_space<vmem>>) target(%dma_start3A_183 : memref<128x128xf32, #tpu.memory_space<hbm>>) target_semaphore(%dma_start3A_181 : memref<!tpu.dma_semaphore, #tpu.memory_space<semaphore_mem>>)
    %dma_wait3A_188 = arith.constant 2 : i32
    %dma_wait3A_189 = arith.constant 2 : i32
    %dma_wait3A_190 = arith.constant 0 : i32
    %dma_wait3A_191 = tpu.memref_slice %arg5[%dma_wait3A_188, %dma_wait3A_190] : memref<4x128xi32, #tpu.memory_space<vmem>> -> memref<1x128xi32, #tpu.memory_space<vmem>>
    %dma_wait3A_192 = tpu.memref_squeeze %dma_wait3A_191 : memref<1x128xi32, #tpu.memory_space<vmem>> -> memref<128xi32, #tpu.memory_space<vmem>>
    %dma_wait3A_193 = tpu.memref_slice %arg3[%add3A_38] : memref<16384xi32, #tpu.memory_space<hbm>> -> memref<128xi32, #tpu.memory_space<hbm>>
    %dma_wait3A_194 = tpu.memref_slice %arg9[%dma_wait3A_189] : memref<4x!tpu.dma_semaphore, #tpu.memory_space<semaphore_mem>> -> memref<1x!tpu.dma_semaphore, #tpu.memory_space<semaphore_mem>>
    %dma_wait3A_195 = tpu.memref_squeeze %dma_wait3A_194 : memref<1x!tpu.dma_semaphore, #tpu.memory_space<semaphore_mem>> -> memref<!tpu.dma_semaphore, #tpu.memory_space<semaphore_mem>>
    %dma_wait3A_196 = arith.constant 0 : i32
    %dma_wait3A_197 = tpu.memref_slice %arg5[%dma_wait3A_188, %dma_wait3A_196] : memref<4x128xi32, #tpu.memory_space<vmem>> -> memref<1x128xi32, #tpu.memory_space<vmem>>
    %dma_wait3A_198 = tpu.memref_squeeze %dma_wait3A_197 : memref<1x128xi32, #tpu.memory_space<vmem>> -> memref<128xi32, #tpu.memory_space<vmem>>
    %dma_wait3A_199 = tpu.memref_slice %arg3[%add3A_38] : memref<16384xi32, #tpu.memory_space<hbm>> -> memref<128xi32, #tpu.memory_space<hbm>>
    tpu.wait_dma2 semaphore(%dma_wait3A_195 : memref<!tpu.dma_semaphore, #tpu.memory_space<semaphore_mem>>) src(%dma_wait3A_199 : memref<128xi32, #tpu.memory_space<hbm>>) dst(%dma_wait3A_198 : memref<128xi32, #tpu.memory_space<vmem>>)
    %dma_wait3A_200 = arith.constant 0 : i32
    %dma_wait3A_201 = arith.constant 0 : i32
    %dma_wait3A_202 = arith.constant 0 : i32
    %dma_wait3A_203 = arith.constant 0 : i32
    %dma_wait3A_204 = tpu.memref_slice %arg6[%dma_wait3A_200, %dma_wait3A_202, %dma_wait3A_203] : memref<2x128x128xf32, #tpu.memory_space<vmem>> -> memref<1x128x128xf32, #tpu.memory_space<vmem>>
    %dma_wait3A_205 = tpu.memref_squeeze %dma_wait3A_204 : memref<1x128x128xf32, #tpu.memory_space<vmem>> -> memref<128x128xf32, #tpu.memory_space<vmem>>
    %dma_wait3A_206 = arith.constant 0 : i32
    %dma_wait3A_207 = tpu.memref_slice %arg4[%add3A_111, %dma_wait3A_206] : memref<16384x128xf32, #tpu.memory_space<hbm>> -> memref<128x128xf32, #tpu.memory_space<hbm>>
    %dma_wait3A_208 = tpu.memref_slice %arg9[%dma_wait3A_201] : memref<4x!tpu.dma_semaphore, #tpu.memory_space<semaphore_mem>> -> memref<1x!tpu.dma_semaphore, #tpu.memory_space<semaphore_mem>>
    %dma_wait3A_209 = tpu.memref_squeeze %dma_wait3A_208 : memref<1x!tpu.dma_semaphore, #tpu.memory_space<semaphore_mem>> -> memref<!tpu.dma_semaphore, #tpu.memory_space<semaphore_mem>>
    %dma_wait3A_210 = arith.constant 0 : i32
    %dma_wait3A_211 = tpu.memref_slice %arg4[%add3A_111, %dma_wait3A_210] : memref<16384x128xf32, #tpu.memory_space<hbm>> -> memref<128x128xf32, #tpu.memory_space<hbm>>
    %dma_wait3A_212 = arith.constant 0 : i32
    %dma_wait3A_213 = arith.constant 0 : i32
    %dma_wait3A_214 = tpu.memref_slice %arg6[%dma_wait3A_200, %dma_wait3A_212, %dma_wait3A_213] : memref<2x128x128xf32, #tpu.memory_space<vmem>> -> memref<1x128x128xf32, #tpu.memory_space<vmem>>
    %dma_wait3A_215 = tpu.memref_squeeze %dma_wait3A_214 : memref<1x128x128xf32, #tpu.memory_space<vmem>> -> memref<128x128xf32, #tpu.memory_space<vmem>>
    tpu.wait_dma2 semaphore(%dma_wait3A_209 : memref<!tpu.dma_semaphore, #tpu.memory_space<semaphore_mem>>) src(%dma_wait3A_215 : memref<128x128xf32, #tpu.memory_space<vmem>>) dst(%dma_wait3A_211 : memref<128x128xf32, #tpu.memory_space<hbm>>)
    %dma_start3A_216 = arith.constant 2 : i32
    %dma_start3A_217 = arith.constant 0 : i32
    %dma_start3A_218 = arith.constant 2 : i32
    %dma_start3A_219 = arith.constant 0 : i32
    %dma_start3A_220 = arith.constant 0 : i32
    %dma_start3A_221 = tpu.memref_slice %arg6[%dma_start3A_217, %dma_start3A_219, %dma_start3A_220] : memref<2x128x128xf32, #tpu.memory_space<vmem>> -> memref<1x128x128xf32, #tpu.memory_space<vmem>>
    %dma_start3A_222 = tpu.memref_squeeze %dma_start3A_221 : memref<1x128x128xf32, #tpu.memory_space<vmem>> -> memref<128x128xf32, #tpu.memory_space<vmem>>
    %dma_start3A_223 = arith.constant 0 : i32
    %dma_start3A_224 = tpu.memref_slice %arg5[%dma_start3A_216, %dma_start3A_223] : memref<4x128xi32, #tpu.memory_space<vmem>> -> memref<1x128xi32, #tpu.memory_space<vmem>>
    %dma_start3A_225 = tpu.memref_squeeze %dma_start3A_224 : memref<1x128xi32, #tpu.memory_space<vmem>> -> memref<128xi32, #tpu.memory_space<vmem>>
    %dma_start3A_226 = arith.constant 0 : i32
    %dma_start3A_227 = arith.constant 0 : i32
    %dma_start3A_228 = tpu.memref_slice %arg7[%dma_start3A_226, %dma_start3A_227] : memref<1000x128xf32, #tpu.memory_space<vmem_shared>> -> memref<1000x128xf32, #tpu.memory_space<vmem_shared>>
    %dma_start3A_229 = tpu.memref_slice %arg8[%dma_start3A_218] : memref<4x!tpu.dma_semaphore, #tpu.memory_space<semaphore_mem>> -> memref<1x!tpu.dma_semaphore, #tpu.memory_space<semaphore_mem>>
    %dma_start3A_230 = tpu.memref_squeeze %dma_start3A_229 : memref<1x!tpu.dma_semaphore, #tpu.memory_space<semaphore_mem>> -> memref<!tpu.dma_semaphore, #tpu.memory_space<semaphore_mem>>
    tpu.enqueue_indirect_dma source(%dma_start3A_228 : memref<1000x128xf32, #tpu.memory_space<vmem_shared>>) target(%dma_start3A_222 : memref<128x128xf32, #tpu.memory_space<vmem>>) offsets(%dma_start3A_225 : memref<128xi32, #tpu.memory_space<vmem>>) semaphore(%dma_start3A_230 : memref<!tpu.dma_semaphore, #tpu.memory_space<semaphore_mem>>)
    %dma_wait3A_231 = arith.constant 2 : i32
    %dma_wait3A_232 = arith.constant 0 : i32
    %dma_wait3A_233 = arith.constant 2 : i32
    %dma_wait3A_234 = arith.constant 0 : i32
    %dma_wait3A_235 = arith.constant 0 : i32
    %dma_wait3A_236 = tpu.memref_slice %arg6[%dma_wait3A_232, %dma_wait3A_234, %dma_wait3A_235] : memref<2x128x128xf32, #tpu.memory_space<vmem>> -> memref<1x128x128xf32, #tpu.memory_space<vmem>>
    %dma_wait3A_237 = tpu.memref_squeeze %dma_wait3A_236 : memref<1x128x128xf32, #tpu.memory_space<vmem>> -> memref<128x128xf32, #tpu.memory_space<vmem>>
    %dma_wait3A_238 = arith.constant 0 : i32
    %dma_wait3A_239 = tpu.memref_slice %arg5[%dma_wait3A_231, %dma_wait3A_238] : memref<4x128xi32, #tpu.memory_space<vmem>> -> memref<1x128xi32, #tpu.memory_space<vmem>>
    %dma_wait3A_240 = tpu.memref_squeeze %dma_wait3A_239 : memref<1x128xi32, #tpu.memory_space<vmem>> -> memref<128xi32, #tpu.memory_space<vmem>>
    %dma_wait3A_241 = arith.constant 0 : i32
    %dma_wait3A_242 = arith.constant 0 : i32
    %dma_wait3A_243 = tpu.memref_slice %arg7[%dma_wait3A_241, %dma_wait3A_242] : memref<1000x128xf32, #tpu.memory_space<vmem_shared>> -> memref<1000x128xf32, #tpu.memory_space<vmem_shared>>
    %dma_wait3A_244 = tpu.memref_slice %arg8[%dma_wait3A_233] : memref<4x!tpu.dma_semaphore, #tpu.memory_space<semaphore_mem>> -> memref<1x!tpu.dma_semaphore, #tpu.memory_space<semaphore_mem>>
    %dma_wait3A_245 = tpu.memref_squeeze %dma_wait3A_244 : memref<1x!tpu.dma_semaphore, #tpu.memory_space<semaphore_mem>> -> memref<!tpu.dma_semaphore, #tpu.memory_space<semaphore_mem>>
    tpu.wait_indirect_dma semaphore(%dma_wait3A_245 : memref<!tpu.dma_semaphore, #tpu.memory_space<semaphore_mem>>) src(%dma_wait3A_243 : memref<1000x128xf32, #tpu.memory_space<vmem_shared>>) dst(%dma_wait3A_237 : memref<128x128xf32, #tpu.memory_space<vmem>>)
    %add3A_246 = arith.constant 256 : i32
    %add3A_247 = arith.addi %mul3A_2, %add3A_246 : i32
    %dma_start3A_248 = arith.constant 0 : i32
    %dma_start3A_249 = arith.constant 2 : i32
    %dma_start3A_250 = arith.constant 0 : i32
    %dma_start3A_251 = arith.constant 0 : i32
    %dma_start3A_252 = tpu.memref_slice %arg6[%dma_start3A_248, %dma_start3A_250, %dma_start3A_251] : memref<2x128x128xf32, #tpu.memory_space<vmem>> -> memref<1x128x128xf32, #tpu.memory_space<vmem>>
    %dma_start3A_253 = tpu.memref_squeeze %dma_start3A_252 : memref<1x128x128xf32, #tpu.memory_space<vmem>> -> memref<128x128xf32, #tpu.memory_space<vmem>>
    %dma_start3A_254 = arith.constant 0 : i32
    %dma_start3A_255 = tpu.memref_slice %arg4[%add3A_247, %dma_start3A_254] : memref<16384x128xf32, #tpu.memory_space<hbm>> -> memref<128x128xf32, #tpu.memory_space<hbm>>
    %dma_start3A_256 = tpu.memref_slice %arg9[%dma_start3A_249] : memref<4x!tpu.dma_semaphore, #tpu.memory_space<semaphore_mem>> -> memref<1x!tpu.dma_semaphore, #tpu.memory_space<semaphore_mem>>
    %dma_start3A_257 = tpu.memref_squeeze %dma_start3A_256 : memref<1x!tpu.dma_semaphore, #tpu.memory_space<semaphore_mem>> -> memref<!tpu.dma_semaphore, #tpu.memory_space<semaphore_mem>>
    %dma_start3A_258 = arith.constant 0 : i32
    %dma_start3A_259 = tpu.memref_slice %arg4[%add3A_247, %dma_start3A_258] : memref<16384x128xf32, #tpu.memory_space<hbm>> -> memref<128x128xf32, #tpu.memory_space<hbm>>
    %dma_start3A_260 = arith.constant 0 : i32
    %dma_start3A_261 = arith.constant 0 : i32
    %dma_start3A_262 = tpu.memref_slice %arg6[%dma_start3A_248, %dma_start3A_260, %dma_start3A_261] : memref<2x128x128xf32, #tpu.memory_space<vmem>> -> memref<1x128x128xf32, #tpu.memory_space<vmem>>
    %dma_start3A_263 = tpu.memref_squeeze %dma_start3A_262 : memref<1x128x128xf32, #tpu.memory_space<vmem>> -> memref<128x128xf32, #tpu.memory_space<vmem>>
    tpu.enqueue_dma source(%dma_start3A_263 : memref<128x128xf32, #tpu.memory_space<vmem>>) target(%dma_start3A_259 : memref<128x128xf32, #tpu.memory_space<hbm>>) target_semaphore(%dma_start3A_257 : memref<!tpu.dma_semaphore, #tpu.memory_space<semaphore_mem>>)
    %dma_wait3A_264 = arith.constant 3 : i32
    %dma_wait3A_265 = arith.constant 3 : i32
    %dma_wait3A_266 = arith.constant 0 : i32
    %dma_wait3A_267 = tpu.memref_slice %arg5[%dma_wait3A_264, %dma_wait3A_266] : memref<4x128xi32, #tpu.memory_space<vmem>> -> memref<1x128xi32, #tpu.memory_space<vmem>>
    %dma_wait3A_268 = tpu.memref_squeeze %dma_wait3A_267 : memref<1x128xi32, #tpu.memory_space<vmem>> -> memref<128xi32, #tpu.memory_space<vmem>>
    %dma_wait3A_269 = tpu.memref_slice %arg3[%add3A_52] : memref<16384xi32, #tpu.memory_space<hbm>> -> memref<128xi32, #tpu.memory_space<hbm>>
    %dma_wait3A_270 = tpu.memref_slice %arg9[%dma_wait3A_265] : memref<4x!tpu.dma_semaphore, #tpu.memory_space<semaphore_mem>> -> memref<1x!tpu.dma_semaphore, #tpu.memory_space<semaphore_mem>>
    %dma_wait3A_271 = tpu.memref_squeeze %dma_wait3A_270 : memref<1x!tpu.dma_semaphore, #tpu.memory_space<semaphore_mem>> -> memref<!tpu.dma_semaphore, #tpu.memory_space<semaphore_mem>>
    %dma_wait3A_272 = arith.constant 0 : i32
    %dma_wait3A_273 = tpu.memref_slice %arg5[%dma_wait3A_264, %dma_wait3A_272] : memref<4x128xi32, #tpu.memory_space<vmem>> -> memref<1x128xi32, #tpu.memory_space<vmem>>
    %dma_wait3A_274 = tpu.memref_squeeze %dma_wait3A_273 : memref<1x128xi32, #tpu.memory_space<vmem>> -> memref<128xi32, #tpu.memory_space<vmem>>
    %dma_wait3A_275 = tpu.memref_slice %arg3[%add3A_52] : memref<16384xi32, #tpu.memory_space<hbm>> -> memref<128xi32, #tpu.memory_space<hbm>>
    tpu.wait_dma2 semaphore(%dma_wait3A_271 : memref<!tpu.dma_semaphore, #tpu.memory_space<semaphore_mem>>) src(%dma_wait3A_275 : memref<128xi32, #tpu.memory_space<hbm>>) dst(%dma_wait3A_274 : memref<128xi32, #tpu.memory_space<vmem>>)
    %dma_wait3A_276 = arith.constant 1 : i32
    %dma_wait3A_277 = arith.constant 1 : i32
    %dma_wait3A_278 = arith.constant 0 : i32
    %dma_wait3A_279 = arith.constant 0 : i32
    %dma_wait3A_280 = tpu.memref_slice %arg6[%dma_wait3A_276, %dma_wait3A_278, %dma_wait3A_279] : memref<2x128x128xf32, #tpu.memory_space<vmem>> -> memref<1x128x128xf32, #tpu.memory_space<vmem>>
    %dma_wait3A_281 = tpu.memref_squeeze %dma_wait3A_280 : memref<1x128x128xf32, #tpu.memory_space<vmem>> -> memref<128x128xf32, #tpu.memory_space<vmem>>
    %dma_wait3A_282 = arith.constant 0 : i32
    %dma_wait3A_283 = tpu.memref_slice %arg4[%add3A_171, %dma_wait3A_282] : memref<16384x128xf32, #tpu.memory_space<hbm>> -> memref<128x128xf32, #tpu.memory_space<hbm>>
    %dma_wait3A_284 = tpu.memref_slice %arg9[%dma_wait3A_277] : memref<4x!tpu.dma_semaphore, #tpu.memory_space<semaphore_mem>> -> memref<1x!tpu.dma_semaphore, #tpu.memory_space<semaphore_mem>>
    %dma_wait3A_285 = tpu.memref_squeeze %dma_wait3A_284 : memref<1x!tpu.dma_semaphore, #tpu.memory_space<semaphore_mem>> -> memref<!tpu.dma_semaphore, #tpu.memory_space<semaphore_mem>>
    %dma_wait3A_286 = arith.constant 0 : i32
    %dma_wait3A_287 = tpu.memref_slice %arg4[%add3A_171, %dma_wait3A_286] : memref<16384x128xf32, #tpu.memory_space<hbm>> -> memref<128x128xf32, #tpu.memory_space<hbm>>
    %dma_wait3A_288 = arith.constant 0 : i32
    %dma_wait3A_289 = arith.constant 0 : i32
    %dma_wait3A_290 = tpu.memref_slice %arg6[%dma_wait3A_276, %dma_wait3A_288, %dma_wait3A_289] : memref<2x128x128xf32, #tpu.memory_space<vmem>> -> memref<1x128x128xf32, #tpu.memory_space<vmem>>
    %dma_wait3A_291 = tpu.memref_squeeze %dma_wait3A_290 : memref<1x128x128xf32, #tpu.memory_space<vmem>> -> memref<128x128xf32, #tpu.memory_space<vmem>>
    tpu.wait_dma2 semaphore(%dma_wait3A_285 : memref<!tpu.dma_semaphore, #tpu.memory_space<semaphore_mem>>) src(%dma_wait3A_291 : memref<128x128xf32, #tpu.memory_space<vmem>>) dst(%dma_wait3A_287 : memref<128x128xf32, #tpu.memory_space<hbm>>)
    %dma_start3A_292 = arith.constant 3 : i32
    %dma_start3A_293 = arith.constant 1 : i32
    %dma_start3A_294 = arith.constant 3 : i32
    %dma_start3A_295 = arith.constant 0 : i32
    %dma_start3A_296 = arith.constant 0 : i32
    %dma_start3A_297 = tpu.memref_slice %arg6[%dma_start3A_293, %dma_start3A_295, %dma_start3A_296] : memref<2x128x128xf32, #tpu.memory_space<vmem>> -> memref<1x128x128xf32, #tpu.memory_space<vmem>>
    %dma_start3A_298 = tpu.memref_squeeze %dma_start3A_297 : memref<1x128x128xf32, #tpu.memory_space<vmem>> -> memref<128x128xf32, #tpu.memory_space<vmem>>
    %dma_start3A_299 = arith.constant 0 : i32
    %dma_start3A_300 = tpu.memref_slice %arg5[%dma_start3A_292, %dma_start3A_299] : memref<4x128xi32, #tpu.memory_space<vmem>> -> memref<1x128xi32, #tpu.memory_space<vmem>>
    %dma_start3A_301 = tpu.memref_squeeze %dma_start3A_300 : memref<1x128xi32, #tpu.memory_space<vmem>> -> memref<128xi32, #tpu.memory_space<vmem>>
    %dma_start3A_302 = arith.constant 0 : i32
    %dma_start3A_303 = arith.constant 0 : i32
    %dma_start3A_304 = tpu.memref_slice %arg7[%dma_start3A_302, %dma_start3A_303] : memref<1000x128xf32, #tpu.memory_space<vmem_shared>> -> memref<1000x128xf32, #tpu.memory_space<vmem_shared>>
    %dma_start3A_305 = tpu.memref_slice %arg8[%dma_start3A_294] : memref<4x!tpu.dma_semaphore, #tpu.memory_space<semaphore_mem>> -> memref<1x!tpu.dma_semaphore, #tpu.memory_space<semaphore_mem>>
    %dma_start3A_306 = tpu.memref_squeeze %dma_start3A_305 : memref<1x!tpu.dma_semaphore, #tpu.memory_space<semaphore_mem>> -> memref<!tpu.dma_semaphore, #tpu.memory_space<semaphore_mem>>
    tpu.enqueue_indirect_dma source(%dma_start3A_304 : memref<1000x128xf32, #tpu.memory_space<vmem_shared>>) target(%dma_start3A_298 : memref<128x128xf32, #tpu.memory_space<vmem>>) offsets(%dma_start3A_301 : memref<128xi32, #tpu.memory_space<vmem>>) semaphore(%dma_start3A_306 : memref<!tpu.dma_semaphore, #tpu.memory_space<semaphore_mem>>)
    %dma_wait3A_307 = arith.constant 3 : i32
    %dma_wait3A_308 = arith.constant 1 : i32
    %dma_wait3A_309 = arith.constant 3 : i32
    %dma_wait3A_310 = arith.constant 0 : i32
    %dma_wait3A_311 = arith.constant 0 : i32
    %dma_wait3A_312 = tpu.memref_slice %arg6[%dma_wait3A_308, %dma_wait3A_310, %dma_wait3A_311] : memref<2x128x128xf32, #tpu.memory_space<vmem>> -> memref<1x128x128xf32, #tpu.memory_space<vmem>>
    %dma_wait3A_313 = tpu.memref_squeeze %dma_wait3A_312 : memref<1x128x128xf32, #tpu.memory_space<vmem>> -> memref<128x128xf32, #tpu.memory_space<vmem>>
    %dma_wait3A_314 = arith.constant 0 : i32
    %dma_wait3A_315 = tpu.memref_slice %arg5[%dma_wait3A_307, %dma_wait3A_314] : memref<4x128xi32, #tpu.memory_space<vmem>> -> memref<1x128xi32, #tpu.memory_space<vmem>>
    %dma_wait3A_316 = tpu.memref_squeeze %dma_wait3A_315 : memref<1x128xi32, #tpu.memory_space<vmem>> -> memref<128xi32, #tpu.memory_space<vmem>>
    %dma_wait3A_317 = arith.constant 0 : i32
    %dma_wait3A_318 = arith.constant 0 : i32
    %dma_wait3A_319 = tpu.memref_slice %arg7[%dma_wait3A_317, %dma_wait3A_318] : memref<1000x128xf32, #tpu.memory_space<vmem_shared>> -> memref<1000x128xf32, #tpu.memory_space<vmem_shared>>
    %dma_wait3A_320 = tpu.memref_slice %arg8[%dma_wait3A_309] : memref<4x!tpu.dma_semaphore, #tpu.memory_space<semaphore_mem>> -> memref<1x!tpu.dma_semaphore, #tpu.memory_space<semaphore_mem>>
    %dma_wait3A_321 = tpu.memref_squeeze %dma_wait3A_320 : memref<1x!tpu.dma_semaphore, #tpu.memory_space<semaphore_mem>> -> memref<!tpu.dma_semaphore, #tpu.memory_space<semaphore_mem>>
    tpu.wait_indirect_dma semaphore(%dma_wait3A_321 : memref<!tpu.dma_semaphore, #tpu.memory_space<semaphore_mem>>) src(%dma_wait3A_319 : memref<1000x128xf32, #tpu.memory_space<vmem_shared>>) dst(%dma_wait3A_313 : memref<128x128xf32, #tpu.memory_space<vmem>>)
    %add3A_322 = arith.constant 384 : i32
    %add3A_323 = arith.addi %mul3A_2, %add3A_322 : i32
    %dma_start3A_324 = arith.constant 1 : i32
    %dma_start3A_325 = arith.constant 3 : i32
    %dma_start3A_326 = arith.constant 0 : i32
    %dma_start3A_327 = arith.constant 0 : i32
    %dma_start3A_328 = tpu.memref_slice %arg6[%dma_start3A_324, %dma_start3A_326, %dma_start3A_327] : memref<2x128x128xf32, #tpu.memory_space<vmem>> -> memref<1x128x128xf32, #tpu.memory_space<vmem>>
    %dma_start3A_329 = tpu.memref_squeeze %dma_start3A_328 : memref<1x128x128xf32, #tpu.memory_space<vmem>> -> memref<128x128xf32, #tpu.memory_space<vmem>>
    %dma_start3A_330 = arith.constant 0 : i32
    %dma_start3A_331 = tpu.memref_slice %arg4[%add3A_323, %dma_start3A_330] : memref<16384x128xf32, #tpu.memory_space<hbm>> -> memref<128x128xf32, #tpu.memory_space<hbm>>
    %dma_start3A_332 = tpu.memref_slice %arg9[%dma_start3A_325] : memref<4x!tpu.dma_semaphore, #tpu.memory_space<semaphore_mem>> -> memref<1x!tpu.dma_semaphore, #tpu.memory_space<semaphore_mem>>
    %dma_start3A_333 = tpu.memref_squeeze %dma_start3A_332 : memref<1x!tpu.dma_semaphore, #tpu.memory_space<semaphore_mem>> -> memref<!tpu.dma_semaphore, #tpu.memory_space<semaphore_mem>>
    %dma_start3A_334 = arith.constant 0 : i32
    %dma_start3A_335 = tpu.memref_slice %arg4[%add3A_323, %dma_start3A_334] : memref<16384x128xf32, #tpu.memory_space<hbm>> -> memref<128x128xf32, #tpu.memory_space<hbm>>
    %dma_start3A_336 = arith.constant 0 : i32
    %dma_start3A_337 = arith.constant 0 : i32
    %dma_start3A_338 = tpu.memref_slice %arg6[%dma_start3A_324, %dma_start3A_336, %dma_start3A_337] : memref<2x128x128xf32, #tpu.memory_space<vmem>> -> memref<1x128x128xf32, #tpu.memory_space<vmem>>
    %dma_start3A_339 = tpu.memref_squeeze %dma_start3A_338 : memref<1x128x128xf32, #tpu.memory_space<vmem>> -> memref<128x128xf32, #tpu.memory_space<vmem>>
    tpu.enqueue_dma source(%dma_start3A_339 : memref<128x128xf32, #tpu.memory_space<vmem>>) target(%dma_start3A_335 : memref<128x128xf32, #tpu.memory_space<hbm>>) target_semaphore(%dma_start3A_333 : memref<!tpu.dma_semaphore, #tpu.memory_space<semaphore_mem>>)
    %dma_wait3A_340 = arith.constant 0 : i32
    %dma_wait3A_341 = arith.constant 2 : i32
    %dma_wait3A_342 = arith.constant 0 : i32
    %dma_wait3A_343 = arith.constant 0 : i32
    %dma_wait3A_344 = tpu.memref_slice %arg6[%dma_wait3A_340, %dma_wait3A_342, %dma_wait3A_343] : memref<2x128x128xf32, #tpu.memory_space<vmem>> -> memref<1x128x128xf32, #tpu.memory_space<vmem>>
    %dma_wait3A_345 = tpu.memref_squeeze %dma_wait3A_344 : memref<1x128x128xf32, #tpu.memory_space<vmem>> -> memref<128x128xf32, #tpu.memory_space<vmem>>
    %dma_wait3A_346 = arith.constant 0 : i32
    %dma_wait3A_347 = tpu.memref_slice %arg4[%add3A_247, %dma_wait3A_346] : memref<16384x128xf32, #tpu.memory_space<hbm>> -> memref<128x128xf32, #tpu.memory_space<hbm>>
    %dma_wait3A_348 = tpu.memref_slice %arg9[%dma_wait3A_341] : memref<4x!tpu.dma_semaphore, #tpu.memory_space<semaphore_mem>> -> memref<1x!tpu.dma_semaphore, #tpu.memory_space<semaphore_mem>>
    %dma_wait3A_349 = tpu.memref_squeeze %dma_wait3A_348 : memref<1x!tpu.dma_semaphore, #tpu.memory_space<semaphore_mem>> -> memref<!tpu.dma_semaphore, #tpu.memory_space<semaphore_mem>>
    %dma_wait3A_350 = arith.constant 0 : i32
    %dma_wait3A_351 = tpu.memref_slice %arg4[%add3A_247, %dma_wait3A_350] : memref<16384x128xf32, #tpu.memory_space<hbm>> -> memref<128x128xf32, #tpu.memory_space<hbm>>
    %dma_wait3A_352 = arith.constant 0 : i32
    %dma_wait3A_353 = arith.constant 0 : i32
    %dma_wait3A_354 = tpu.memref_slice %arg6[%dma_wait3A_340, %dma_wait3A_352, %dma_wait3A_353] : memref<2x128x128xf32, #tpu.memory_space<vmem>> -> memref<1x128x128xf32, #tpu.memory_space<vmem>>
    %dma_wait3A_355 = tpu.memref_squeeze %dma_wait3A_354 : memref<1x128x128xf32, #tpu.memory_space<vmem>> -> memref<128x128xf32, #tpu.memory_space<vmem>>
    tpu.wait_dma2 semaphore(%dma_wait3A_349 : memref<!tpu.dma_semaphore, #tpu.memory_space<semaphore_mem>>) src(%dma_wait3A_355 : memref<128x128xf32, #tpu.memory_space<vmem>>) dst(%dma_wait3A_351 : memref<128x128xf32, #tpu.memory_space<hbm>>)
    %dma_wait3A_356 = arith.constant 1 : i32
    %dma_wait3A_357 = arith.constant 3 : i32
    %dma_wait3A_358 = arith.constant 0 : i32
    %dma_wait3A_359 = arith.constant 0 : i32
    %dma_wait3A_360 = tpu.memref_slice %arg6[%dma_wait3A_356, %dma_wait3A_358, %dma_wait3A_359] : memref<2x128x128xf32, #tpu.memory_space<vmem>> -> memref<1x128x128xf32, #tpu.memory_space<vmem>>
    %dma_wait3A_361 = tpu.memref_squeeze %dma_wait3A_360 : memref<1x128x128xf32, #tpu.memory_space<vmem>> -> memref<128x128xf32, #tpu.memory_space<vmem>>
    %dma_wait3A_362 = arith.constant 0 : i32
    %dma_wait3A_363 = tpu.memref_slice %arg4[%add3A_323, %dma_wait3A_362] : memref<16384x128xf32, #tpu.memory_space<hbm>> -> memref<128x128xf32, #tpu.memory_space<hbm>>
    %dma_wait3A_364 = tpu.memref_slice %arg9[%dma_wait3A_357] : memref<4x!tpu.dma_semaphore, #tpu.memory_space<semaphore_mem>> -> memref<1x!tpu.dma_semaphore, #tpu.memory_space<semaphore_mem>>
    %dma_wait3A_365 = tpu.memref_squeeze %dma_wait3A_364 : memref<1x!tpu.dma_semaphore, #tpu.memory_space<semaphore_mem>> -> memref<!tpu.dma_semaphore, #tpu.memory_space<semaphore_mem>>
    %dma_wait3A_366 = arith.constant 0 : i32
    %dma_wait3A_367 = tpu.memref_slice %arg4[%add3A_323, %dma_wait3A_366] : memref<16384x128xf32, #tpu.memory_space<hbm>> -> memref<128x128xf32, #tpu.memory_space<hbm>>
    %dma_wait3A_368 = arith.constant 0 : i32
    %dma_wait3A_369 = arith.constant 0 : i32
    %dma_wait3A_370 = tpu.memref_slice %arg6[%dma_wait3A_356, %dma_wait3A_368, %dma_wait3A_369] : memref<2x128x128xf32, #tpu.memory_space<vmem>> -> memref<1x128x128xf32, #tpu.memory_space<vmem>>
    %dma_wait3A_371 = tpu.memref_squeeze %dma_wait3A_370 : memref<1x128x128xf32, #tpu.memory_space<vmem>> -> memref<128x128xf32, #tpu.memory_space<vmem>>
    tpu.wait_dma2 semaphore(%dma_wait3A_365 : memref<!tpu.dma_semaphore, #tpu.memory_space<semaphore_mem>>) src(%dma_wait3A_371 : memref<128x128xf32, #tpu.memory_space<vmem>>) dst(%dma_wait3A_367 : memref<128x128xf32, #tpu.memory_space<hbm>>)
    return
  }
}

module attributes {stable_mosaic.version = 14 : i64} {
  func.func @_proj_silu_kernel(%arg0: memref<1000x128xf32, #tpu.memory_space<vmem>>, %arg1: memref<128x128xf32, #tpu.memory_space<vmem>>, %arg2: memref<1x128xf32, #tpu.memory_space<vmem>>, %arg3: memref<1000x128xf32, #tpu.memory_space<vmem>>) attributes {dimension_semantics = [], scalar_prefetch = 0 : i64, scratch_operands = 0 : i64, tpu.core_type = #tpu.core_type<tc>} {
    %get3A = arith.constant 0 : index
    %get3A_0 = arith.constant 0 : index
    %get3A_1 = vector.load %arg0[%get3A, %get3A_0] : memref<1000x128xf32, #tpu.memory_space<vmem>>, vector<1000x128xf32>
    %get3A_2 = arith.constant 0 : index
    %get3A_3 = arith.constant 0 : index
    %get3A_4 = vector.load %arg1[%get3A_2, %get3A_3] : memref<128x128xf32, #tpu.memory_space<vmem>>, vector<128x128xf32>
    %dot_general3A = arith.constant dense<0.000000e+00> : vector<1000x128xf32>
    %dot_general3A_5 = tpu.matmul %get3A_1, %get3A_4, %dot_general3A {dimension_numbers = #tpu.dot_dimension_numbers<[1], [1], [0], [0], [0, 0, 1, 0], [], []>, transpose_lhs_hint = false} : vector<1000x128xf32>, vector<128x128xf32>, vector<1000x128xf32> -> vector<1000x128xf32>
    %get3A_6 = arith.constant 0 : index
    %get3A_7 = arith.constant 0 : index
    %get3A_8 = vector.load %arg2[%get3A_6, %get3A_7] : memref<1x128xf32, #tpu.memory_space<vmem>>, vector<1x128xf32>
    %add3A = vector.broadcast %get3A_8 : vector<1x128xf32> to vector<1000x128xf32>
    %add3A_9 = arith.addf %dot_general3A_5, %add3A : vector<1000x128xf32>
    %logistic3A = arith.negf %add3A_9 : vector<1000x128xf32>
    %logistic3A_10 = math.exp %logistic3A : vector<1000x128xf32>
    %logistic3A_11 = arith.constant 1.000000e+00 : f32
    %logistic3A_12 = vector.broadcast %logistic3A_11 : f32 to vector<1000x128xf32>
    %logistic3A_13 = arith.addf %logistic3A_12, %logistic3A_10 : vector<1000x128xf32>
    %logistic3A_14 = arith.divf %logistic3A_12, %logistic3A_13 : vector<1000x128xf32>
    %mul3A = arith.mulf %add3A_9, %logistic3A_14 : vector<1000x128xf32>
    %swap3A = arith.constant 0 : index
    %swap3A_15 = arith.constant 0 : index
    %swap3A_16 = vector.load %arg3[%swap3A, %swap3A_15] : memref<1000x128xf32, #tpu.memory_space<vmem>>, vector<1000x128xf32>
    tpu.vector_store %arg3[%swap3A, %swap3A_15], %mul3A {strides = array<i32>} : memref<1000x128xf32, #tpu.memory_space<vmem>>, vector<1000x128xf32>,
    return
  }
}

</mosaic_0001>

<sc_bundles>
// kernel: kernel.4.cloned.1.call-start
scs
__scs_entry_jumppad:
0x0: {  	(pc) =	sbr.rel $0x88, $3  }
0x1: {  	(tag) =	ssettag $0x0;
	lr =	simm.s32 $0x1  }
0x2: {  	[smem:$0x3F9D] =	sst lr;
	_ =	strace $0xD0000000  }
0x3: {  	_ = 	snop  }
0x4: {  	_ = 	snop  }
0x5: {  	_ = 	snop  }
0x6: {  	_ = 	snop  }
0x7: {  	_ = 	snop  }
__scs_overlays_trampoline_lowered:
0x8: {  	[smem:$0x3FAC] =	sst s0  }
0x9: {  	[smem:$0x3FAD] =	sst s1  }
0xa: {  	[smem:$0x3FAE] =	sst s2  }
0xb: {  	[smem:$0x3FAF] =	sst s3  }
0xc: {  	[smem:$0x3FB0] =	sst s4  }
0xd: {  	[smem:$0x3FB1] =	sst s5  }
0xe: {  	[smem:$0x3FB2] =	sst s6  }
0xf: {  	[smem:$0x3FB3] =	sst s7  }
0x10: {  	[smem:$0x3FB4] =	sst s8  }
0x11: {  	[smem:$0x3FB5] =	sst s9;
	s0 =	simm.s32 @!p0 $0x0  }
0x12: {  	s1 =	sld [smem:$0x3F9B];
	s0 =	simm.s32 @p0 $0x1  }
0x13: {  	[smem:$0x3FB6] =	sst s0;
	s0 =	simm.s32 @!p1 $0x0  }
0x14: {  	s2 =	sld [smem:$0x3F9A];
	s0 =	simm.s32 @p1 $0x1  }
0x15: {  	[smem:$0x3FB7] =	sst s0;
	s0 =	simm.s32 @!p2 $0x0  }
0x16: {  	s3 =	sld [smem:$0x3FDB];
	s0 =	simm.s32 @p2 $0x1  }
0x17: {  	s4 =	simm.s32 $0x1BF5;
	[smem:$0x3FB9] =	sst s0  }
0x18: {  	s0 =	sld [smem:$0x3F9C];
	_ =	swait.ge [sflag:s4], $0x0  }
0x19: {  	s7 =	sld [smem:$0x3F9D]  }
0x1a: {  	s8 =	sadd.s32 $0xFFFFE003, lr  }
0x1b: {  	s9 =	sadd.s32 $0xFFFFFEF7, lr;
	s5 =	simm.s32 $0xFFFFFFFF;
	p2 =	slt.u32 s8, $0xFFFFF086  }
0x1c: {  	p1 =	slt.u32 s9, $0xF7A;
	s5 =	simm.s32 @!p2 $0x0  }
0x1d: {  	s5 =	simm.s32 @p1 $0x1;
	p0 =	seq.s32 s7, s2  }
0x1e: {  	s7 =	smul.u32 @!p0 $0xF7A, s2;
	p2 =	seq.s32 @!p0 s5, $0x0  }
0x1f: {  	s9 =	smul.u32 $0xF7A, s1;
	s8 =	simm.s32 @!p0 $0x1BF5;
	p2 =	por !p2, p0  }
0x20: {  	[sflag:s8] =	ssyncset.s32 @!p0 $0xFFFFF086;
	s6 =	sadd.s32 @!p0 s3, s7;
	s7 =	simm.s32 @!p0 $0x108  }
0x21: {  	s3 =	sadd.s32 s3, s9;
	s6 =	sadd.s32 @!p0 $0x88, s6;
	s7 =	simm.s32 @p2 $0x1082  }
0x22: {  	[simem:s7], [sflag:s8] =	dma.local @!p0 [hbm:s6], $0xF7A  }
0x23: {  	s9 =	sor.u32 $0xD0000000, s2;
	s6 =	simm.s32 $0x108;
	_ =	swait.ge @!p0 [sflag:s8], $0x0  }
0x24: {  	s3 =	sadd.s32 $0x88, s3;
	s6 =	simm.s32 @!p1 $0x1082;
	[sflag:s4] =	ssyncset.s32 $0xFFFFF086  }
0x25: {  	[simem:s6], [sflag:s4] =	dma.local [hbm:s3], $0xF7A  }
0x26: {  	[smem:$0x3F9D] =	sst s1;
	(tag) =	ssettag s2;
	_ =	strace s9  }
0x27: {  	s1 =	sld [smem:$0x3FAD]  }
0x28: {  	s2 =	sld [smem:$0x3FAE]  }
0x29: {  	s4 =	sld [smem:$0x3FB0]  }
0x2a: {  	p0 =	seq.s32 s5, $0x0;
	s5 =	sld [smem:$0x3FB1]  }
0x2b: {  	s6 =	sld [smem:$0x3FB2]  }
0x2c: {  	s7 =	sld [smem:$0x3FB3]  }
0x2d: {  	s3 =	simm.s32 $0x108;
	s8 =	sld [smem:$0x3FB4]  }
0x2e: {  	s3 =	simm.s32 @!p0 $0x1082;
	s9 =	sld [smem:$0x3FB5]  }
0x2f: {  	lr =	sadd.s32 s0, s3;
	s0 =	sld [smem:$0x3FAC]  }
0x30: {  	s3 =	sld [smem:$0x3FAF]  }
0x31: {  	[smem:$0x3FB8] =	sst s10  }
0x32: {  	s10 =	sld [smem:$0x3FB6];
	_ =	sdelay $0x3  }
0x33: {  	p0 =	seq.s32 s10, $0x1;
	s10 =	sld [smem:$0x3FB8];
	_ =	sdelay $0x3  }
0x34: {  	[smem:$0x3FB8] =	sst s10  }
0x35: {  	s10 =	sld [smem:$0x3FB7];
	_ =	sdelay $0x3  }
0x36: {  	p1 =	seq.s32 s10, $0x1;
	s10 =	sld [smem:$0x3FB8];
	_ =	sdelay $0x3  }
0x37: {  	[smem:$0x3FB8] =	sst s10  }
0x38: {  	s10 =	sld [smem:$0x3FB9]  }
0x39: {  	_ = 	snop;
	(pc) =	sbr.ind lr, $3  }
0x3a: {  	_ = 	snop  }
0x3b: {  	_ = 	snop  }
0x3c: {  	p2 =	seq.s32 s10, $0x1;
	s10 =	sld [smem:$0x3FB8]  }
0x3d: {  	_ =	shalt  }
0x3e: {  	_ =	shalt  }
0x3f: {  	_ =	shalt  }
0x40: {  	_ =	shalt  }
0x41: {  	_ =	shalt  }
0x42: {  	_ =	shalt  }
0x43: {  	_ =	shalt  }
0x44: {  	_ =	shalt  }
0x45: {  	_ =	shalt  }
0x46: {  	_ =	shalt  }
0x47: {  	_ =	shalt  }
0x48: {  	_ =	shalt  }
0x49: {  	_ =	shalt  }
0x4a: {  	_ =	shalt  }
0x4b: {  	_ =	shalt  }
0x4c: {  	_ =	shalt  }
0x4d: {  	_ =	shalt  }
0x4e: {  	_ =	shalt  }
0x4f: {  	_ =	shalt  }
0x50: {  	_ =	shalt  }
0x51: {  	_ =	shalt  }
0x52: {  	_ =	shalt  }
0x53: {  	_ =	shalt  }
0x54: {  	_ =	shalt  }
0x55: {  	_ =	shalt  }
0x56: {  	_ =	shalt  }
0x57: {  	_ =	shalt  }
0x58: {  	_ =	shalt  }
0x59: {  	_ =	shalt  }
0x5a: {  	_ =	shalt  }
0x5b: {  	_ =	shalt  }
0x5c: {  	_ =	shalt  }
0x5d: {  	_ =	shalt  }
0x5e: {  	_ =	shalt  }
0x5f: {  	_ =	shalt  }
0x60: {  	_ =	shalt  }
0x61: {  	_ =	shalt  }
0x62: {  	_ =	shalt  }
0x63: {  	_ =	shalt  }
0x64: {  	_ =	shalt  }
0x65: {  	_ =	shalt  }
0x66: {  	_ =	shalt  }
0x67: {  	_ =	shalt  }
0x68: {  	_ =	shalt  }
0x69: {  	_ =	shalt  }
0x6a: {  	_ =	shalt  }
0x6b: {  	_ =	shalt  }
0x6c: {  	_ =	shalt  }
0x6d: {  	_ =	shalt  }
0x6e: {  	_ =	shalt  }
0x6f: {  	_ =	shalt  }
0x70: {  	_ =	shalt  }
0x71: {  	_ =	shalt  }
0x72: {  	_ =	shalt  }
0x73: {  	_ =	shalt  }
0x74: {  	_ =	shalt  }
0x75: {  	_ =	shalt  }
0x76: {  	_ =	shalt  }
0x77: {  	_ =	shalt  }
0x78: {  	_ =	shalt  }
0x79: {  	_ =	shalt  }
0x7a: {  	_ =	shalt  }
0x7b: {  	_ =	shalt  }
0x7c: {  	_ =	shalt  }
0x7d: {  	_ =	shalt  }
0x7e: {  	_ =	shalt  }
0x7f: {  	_ =	shalt  }
0x80: {  	_ =	shalt  }
0x81: {  	_ =	shalt  }
0x82: {  	_ =	shalt  }
0x83: {  	_ =	shalt  }
0x84: {  	_ =	shalt  }
0x85: {  	_ =	shalt  }
0x86: {  	_ =	shalt  }
0x87: {  	_ =	shalt  }
.Lfunc_end0:
.L_simem_size_0:
called_computation_lowered:
.L_overlay_start_0:
0x88: {  	s2 =	sld [smem:$0x3FD9]  }
0x89: {  	s3 =	sld [smem:$0x3FFE];
	_ =	sdelay $0x1  }
0x8a: {  	s1 =	srdreg.scid  }
0x8b: {  	s0 =	sand.u32 $0x1, s1  }
0x8c: {  	s17 =	sshll.u32 s0, $0xA;
	s2 =	sadd.s32 s3, s2  }
0x8d: {  	s2 =	sadd.s32 s2, s17  }
0x8e: {  	[smem:$0x3FC4] =	sst s2  }
0x8f: {  	_ = 	snop  }
0x90: {  	s2 =	sld [smem:$0x3FC9]  }
0x91: {  	s18 =	sld [smem:$0x3FD0];
	(tm) =	ssettm $0x1  }
0x92: {  	s4 =	sld [smem:$0x3FFB];
	_ =	sdelay $0x3  }
0x93: {  	_ =	strace s4  }
0x94: {  	s4 =	sld [smem:$0x3FFC];
	_ =	sdelay $0x3  }
0x95: {  	_ =	strace s4  }
0x96: {  	s4 =	sld [smem:$0x3FFD];
	_ =	sdelay $0x3  }
0x97: {  	_ =	strace s4  }
0x98: {  	_ =	strace $0x8FFFFFFF  }
0x99: {  	s19 =	sld [smem:$0x3FDB];
	_ =	sdelay $0x1  }
0x9a: {  	s5 =	simm.s32 $_scs_section_size  }
0x9b: {  	s6 =	simm.s32 $_size__tile_overlayer_lowered;
	s7 =	simm.s32 $_tile_overlayer_lowered  }
0x9c: {  	s22 =	simm.s32 $0x1BFF;
	s21 =	sshll.u32 s7, $0x1;
	s4 =	sadd.s32 s5, s19  }
0x9d: {  	s8 =	simm.s32 $0x0;
	s20 =	sshll.u32 s6, $0x1;
	s6 =	sadd.s32 s21, s4  }
0x9e: {  	[timem:s8], [sflag:s22] =	dma.local [hbm:s6], s20  }
0x9f: {  	_ =	swait.ge [sflag:s22], s20  }
0xa0: {  	s5 =	ssub.s32 $0x0, s20;
	[sflag:s22] =	ssyncset.done $0x0  }
0xa1: {  	[sflag:s22] =	ssyncadd.s32 s5;
	_ =	sdelay $0x1  }
0xa2: {  	s23 =	simm.s32 $0x1B8B  }
0xa3: {  	_ =	swait.ge [sflag:s23], $0x1  }
0xa4: {  	[sflag:s23] =	ssyncset.done $0x0  }
0xa5: {  	s25 =	simm.s32 $0x1B8E;
	s24 =	sld [smem:$0x3FFE];
	[sflag:s23] =	ssyncadd.s32 $0xFFFFFFFF  }
0xa6: {  	s26 =	simm.s32 $execute0_lowered;
	[smem:$0x3FD2] =	sst s25  }
0xa7: {  	s6 =	sshll.u32 s26, $0x1;
	_ =	strace $0x80000046;
	[dreg:$0x1] =	wrdreg $0xFFFFFFFF  }
0xa8: {  	s28 =	simm.s32 $_size_execute0_lowered;
	s4 =	sadd.s32 s4, s6;
	[dreg:$0x0] =	wrdreg $0x0  }
0xa9: {  	s6 =	sshll.u32 s28, $0x1;
	[dreg:$0x2] =	wrdreg s4  }
0xaa: {  	[dreg:$0x3] =	wrdreg s6  }
0xab: {  	[dreg:$0x4] =	wrdreg $0xC0  }
0xac: {  	_ =	task [dreg:s8], $0x5FFFF  }
0xad: {  	[dreg:$0x1] =	wrdreg $0xFFFFFFFF  }
0xae: {  	[dreg:$0x0] =	wrdreg $0x60  }
0xaf: {  	[dreg:$0x2] =	wrdreg s24  }
0xb0: {  	[dreg:$0x3] =	wrdreg s2  }
0xb1: {  	[dreg:$0x4] =	wrdreg s18  }
0xb2: {  	[dreg:$0x5] =	wrdreg $0x82000  }
0xb3: {  	[dreg:$0x6] =	wrdreg $0x9  }
0xb4: {  	_ =	task.clear_ibuf [dreg:s8], $0x7FFFF;
	_ =	strace $0x90000046  }
0xb5: {  	s29 =	simm.s32 $0x9;
	_ =	strace $0x80000048  }
0xb6: {  	_ =	swait.ge [sflag:s29], $0x1  }
0xb7: {  	[sflag:s29] =	ssyncadd.s32 $0xFFFFFFFF  }
0xb8: {  	_ =	strace $0x90000048  }
0xb9: {  	_ =	sfence  }
0xba: {  	s30 =	sld [smem:$0x0];
	_ =	sdelay $0x2  }
0xbb: {  	s31 =	sshll.u32 s1, $0xD;
	s1 =	sshrl.u32 s1, $0x2  }
0xbc: {  	s3 =	sand.u32 $0x4000, s31;
	s1 =	sadd.s32 s1, s30  }
0xbd: {  	s0 =	sor.u32 s3, s0;
	s1 =	sshll.u32 s1, $0x11  }
0xbe: {  	s0 =	sor.u32 s1, s0  }
0xbf: {  	s0 =	sadd.s32 $0x8F2B, s0  }
0xc0: {  	[sflag:s0] =	ssyncadd.remote.s32 $0x1  }
0xc1: {  	_ =	sfence.sel $0xFFFF  }
0xc2: {  	[dreg:$0x0] =	wrdreg $0xFFFFFFFF;
	(pc) =	sbr.abs _section_cstart, $3  }
0xc3: {  	[dreg:$0x1] =	wrdreg $0xFFFFFFFF  }
0xc4: {  	_ =	task.clear_ibuf [dreg:s8], $0x2FFFF;
	_ =	strace $0x9FFFFFFF  }
0xc5: {  	(tm) =	ssettm $0x7FFFFFFF  }
tec
execute0_lowered:
.L_overlay_start_1:
0x0: {  	(tag) =	ssettag $0x1  }
0x1: {  	s4 =	rddreg [dreg:$0x0]  }
0x2: {  	s12 =	rddreg [dreg:$0x1]  }
0x3: {  	s29 =	rddreg [dreg:$0x2]  }
0x4: {  	s2 =	rddreg [dreg:$0x3];
	s1 =	stileid.u32  }
0x5: {  	s0 =	rddreg [dreg:$0x4];
	s3 =	simm.s32 $0x0;
	s7 =	srdreg.scid  }
0x6: {  	s5 =	sshll.u32 s1, $0x6;
	[smem:$0x7FF] =	sst s3;
	s30 =	sand.u32 $0x1, s7  }
0x7: {  	s23 =	sshll.u32 s1, $0xA;
	s6 =	smin.u32 s5, $0x3A8;
	_ =	strace $0x80000047  }
0x8: {  	s9 =	sshll.u32 s30, $0x9;
	s5 =	sor.u32 $0x1C09, s5;
	s8 =	sshll.u32 s6, $0x4  }
0x9: {  	s6 =	sshll.u32 s6, $0x7;
	s18 =	sor.u32 s9, s23;
	s9 =	simm.s32 $0x80  }
0xa: {  	s4 =	sadd.s32 s8, s4;
	s24 =	sadd.s32 s6, s2;
	s26 =	sshrl.u32 s18, $0x3  }
0xb: {  	s22 =	sor.u32 $0x80, s18;
	s25 =	sor.u32 $0x100, s18;
	s4 =	sadd.s32 $0xC00, s4  }
0xc: {  	s6 =	sadd.s32 s12, s26;
	s31 =	sshrl.u32 s22, $0x3;
	s8 =	sshrl.u32 s24, $0x3  }
0xd: {  	[spmem:s8], [sflag:s5] =	dma.local [hbm:s4], $0x400  }
0xe: {  	[tilespmem:s3], [sflag:$0x5] =	stream.linear.gather [hbm4b:s6+s3], $0x80, $0x38;
	[tilespmem:$0xA140] =	vst v63  }
0xf: {  	s10 =	sshrl.u32 s25, $0x3;
	s7 =	sadd.s32 s12, s31;
	s31 =	sor.u32 $0x180, s18  }
0x10: {  	[tilespmem:s9], [sflag:$0x6] =	stream.linear.gather [hbm4b:s7+s3], $0x80, $0x38;
	[tilespmem:$0xA140] =	vst v63  }
0x11: {  	s11 =	simm.s32 $0x100;
	s10 =	sadd.s32 s12, s10;
	s13 =	sshrl.u32 s31, $0x3  }
0x12: {  	[tilespmem:s11], [sflag:$0x7] =	stream.linear.gather [hbm4b:s10+s3], $0x80, $0x38;
	[tilespmem:$0xA140] =	vst v63  }
0x13: {  	s14 =	simm.s32 $0x9;
	s12 =	sadd.s32 s12, s13;
	s13 =	simm.s32 $0x180  }
0x14: {  	[tilespmem:s13], [sflag:$0x8] =	stream.linear.gather [hbm4b:s12+s3], $0x80, $0x38;
	[tilespmem:$0xA140] =	vst v63  }
0x15: {  	_ =	swait.ge [sflag:s14], $0x400  }
0x16: {  	[sflag:s14] =	ssyncset.done $0x0  }
0x17: {  	[sflag:s14] =	ssyncadd.s32 $0xFFFFFC00  }
0x18: {  	s15 =	simm.s32 $0x5;
	[bflag:$0x0] =	sbarrier.arrive $0xFFFF  }
0x19: {  	_ =	swait.ge [sflag:s15], $0x80  }
0x1a: {  	[sflag:s15] =	ssyncset.done $0x0  }
0x1b: {  	s16 =	simm.s32 $0x200;
	s17 =	simm.s32 $0x1;
	[sflag:s15] =	ssyncadd.s32 $0xFFFFFF80  }
0x1c: {  	[tilespmem:s16], [sflag:$0x1] =	stream.indirect.gather [spmem:s2], $0x80, s3, s9, $0xb8;
	[tilespmem:$0xA140] =	vst v63  }
0x1d: {  	_ =	swait.ge [sflag:s17], $0x4000  }
0x1e: {  	s18 =	sshll.u32 s18, $0x4;
	[sflag:s17] =	ssyncset.done $0x0  }
0x1f: {  	s19 =	simm.s32 $0x6;
	s18 =	sadd.s32 s29, s18;
	[sflag:s17] =	ssyncadd.s32 $0xFFFFC000  }
0x20: {  	[hbm4b:s18+s3] =	stream.linear.scatter [tilespmem:s16], [sflag:$0x5], $0x4000, $0x38;
	[tilespmem:$0xA140] =	vst v63  }
0x21: {  	_ =	swait.ge [sflag:s19], $0x80  }
0x22: {  	[sflag:s19] =	ssyncset.done $0x0  }
0x23: {  	s20 =	simm.s32 $0x4200;
	s21 =	simm.s32 $0x2;
	[sflag:s19] =	ssyncadd.s32 $0xFFFFFF80  }
0x24: {  	[tilespmem:s20], [sflag:$0x2] =	stream.indirect.gather [spmem:s2], $0x80, s9, s9, $0xb8;
	[tilespmem:$0xA140] =	vst v63  }
0x25: {  	_ =	swait.ge [sflag:s21], $0x4000  }
0x26: {  	s22 =	sshll.u32 s22, $0x4;
	[sflag:s21] =	ssyncset.done $0x0  }
0x27: {  	s23 =	simm.s32 $0x7;
	s22 =	sadd.s32 s29, s22;
	[sflag:s21] =	ssyncadd.s32 $0xFFFFC000  }
0x28: {  	[hbm4b:s22+s3] =	stream.linear.scatter [tilespmem:s20], [sflag:$0x6], $0x4000, $0x38;
	[tilespmem:$0xA140] =	vst v63  }
0x29: {  	_ =	swait.ge [sflag:s23], $0x80  }
0x2a: {  	[sflag:s23] =	ssyncset.done $0x0  }
0x2b: {  	[sflag:s23] =	ssyncadd.s32 $0xFFFFFF80  }
0x2c: {  	_ =	swait.ge [sflag:s15], $0x4000  }
0x2d: {  	[sflag:s15] =	ssyncset.done $0x0  }
0x2e: {  	s24 =	simm.s32 $0x3;
	[sflag:s15] =	ssyncadd.s32 $0xFFFFC000  }
0x2f: {  	[tilespmem:s16], [sflag:$0x3] =	stream.indirect.gather [spmem:s2], $0x80, s11, s9, $0xb8;
	[tilespmem:$0xA140] =	vst v63  }
0x30: {  	_ =	swait.ge [sflag:s24], $0x4000  }
0x31: {  	s25 =	sshll.u32 s25, $0x4;
	[sflag:s24] =	ssyncset.done $0x0  }
0x32: {  	s26 =	simm.s32 $0x8;
	s25 =	sadd.s32 s29, s25;
	[sflag:s24] =	ssyncadd.s32 $0xFFFFC000  }
0x33: {  	[hbm4b:s25+s3] =	stream.linear.scatter [tilespmem:s16], [sflag:$0x7], $0x4000, $0x38;
	[tilespmem:$0xA140] =	vst v63  }
0x34: {  	_ =	swait.ge [sflag:s26], $0x80  }
0x35: {  	[sflag:s26] =	ssyncset.done $0x0  }
0x36: {  	[sflag:s26] =	ssyncadd.s32 $0xFFFFFF80  }
0x37: {  	s28 =	simm.s32 $0x4;
	_ =	swait.ge [sflag:s19], $0x4000  }
0x38: {  	s30 =	ssub.s32 $0x2, s30;
	s31 =	sshll.u32 s31, $0x4;
	[sflag:s19] =	ssyncset.done $0x0  }
0x39: {  	s29 =	sadd.s32 s29, s31;
	s31 =	sshrl.u32 s30, $0x1;
	[sflag:s19] =	ssyncadd.s32 $0xFFFFC000  }
0x3a: {  	[tilespmem:s20], [sflag:$0x4] =	stream.indirect.gather [spmem:s2], $0x80, s13, s9, $0xb8;
	[tilespmem:$0xA140] =	vst v63  }
0x3b: {  	s30 =	ssub.s32 s30, s31;
	_ =	swait.ge [sflag:s28], $0x4000  }
0x3c: {  	s30 =	smax.u32 s30, $0x1;
	[sflag:s28] =	ssyncset.done $0x0  }
0x3d: {  	p0 =	sne.s32 s30, $0x1;
	[sflag:s28] =	ssyncadd.s32 $0xFFFFC000  }
0x3e: {  	[hbm4b:s29+s3] =	stream.linear.scatter [tilespmem:s20], [sflag:$0x8], $0x4000, $0x38;
	[tilespmem:$0xA140] =	vst v63  }
.Ltmp0:
0x3f: {  	_ =	swait.ge [sflag:s23], $0x4000;
	(pc) =	sbr.rel @!p0 .LBB2_2-.Ltmp0, $4  }
0x40: {  	[sflag:s23] =	ssyncset.done $0x0  }
0x41: {  	[sflag:s23] =	ssyncadd.s32 $0xFFFFC000  }
0x42: {  	_ =	swait.ge [sflag:s26], $0x4000  }
0x43: {  	s30 =	sadd.s32 $0xFFFFFFFF, s30;
	[sflag:s26] =	ssyncset.done $0x0  }
.LBB2_1:
0x44: {  	p0 =	sne.s32 s30, $0x1;
	s30 =	sadd.s32 $0xFFFFFFFF, s30;
	[sflag:s26] =	ssyncadd.s32 $0xFFFFC000  }
0x45: {  	[spmem:s8], [sflag:s5] =	dma.local [hbm:s4], $0x400  }
0x46: {  	[tilespmem:s3], [sflag:$0x5] =	stream.linear.gather [hbm4b:s6+s3], $0x80, $0x38;
	[tilespmem:$0xA140] =	vst v63  }
0x47: {  	_ = 	snop  }
0x48: {  	[tilespmem:s9], [sflag:$0x6] =	stream.linear.gather [hbm4b:s7+s3], $0x80, $0x38;
	[tilespmem:$0xA140] =	vst v63  }
0x49: {  	_ = 	snop  }
0x4a: {  	[tilespmem:s11], [sflag:$0x7] =	stream.linear.gather [hbm4b:s10+s3], $0x80, $0x38;
	[tilespmem:$0xA140] =	vst v63  }
0x4b: {  	_ = 	snop  }
0x4c: {  	[tilespmem:s13], [sflag:$0x8] =	stream.linear.gather [hbm4b:s12+s3], $0x80, $0x38;
	[tilespmem:$0xA140] =	vst v63  }
0x4d: {  	_ =	swait.ge [sflag:s14], $0x400  }
0x4e: {  	[sflag:s14] =	ssyncset.done $0x0  }
0x4f: {  	[sflag:s14] =	ssyncadd.s32 $0xFFFFFC00  }
0x50: {  	[bflag:$0x0] =	sbarrier.arrive $0xFFFF  }
0x51: {  	_ =	swait.ge [sflag:s15], $0x80  }
0x52: {  	[sflag:s15] =	ssyncset.done $0x0  }
0x53: {  	[sflag:s15] =	ssyncadd.s32 $0xFFFFFF80  }
0x54: {  	[tilespmem:s16], [sflag:$0x1] =	stream.indirect.gather [spmem:s2], $0x80, s3, s9, $0xb8;
	[tilespmem:$0xA140] =	vst v63  }
0x55: {  	_ =	swait.ge [sflag:s17], $0x4000  }
0x56: {  	[sflag:s17] =	ssyncset.done $0x0  }
0x57: {  	[sflag:s17] =	ssyncadd.s32 $0xFFFFC000  }
0x58: {  	[hbm4b:s18+s3] =	stream.linear.scatter [tilespmem:s16], [sflag:$0x5], $0x4000, $0x38;
	[tilespmem:$0xA140] =	vst v63  }
0x59: {  	_ =	swait.ge [sflag:s19], $0x80  }
0x5a: {  	[sflag:s19] =	ssyncset.done $0x0  }
0x5b: {  	[sflag:s19] =	ssyncadd.s32 $0xFFFFFF80  }
0x5c: {  	[tilespmem:s20], [sflag:$0x2] =	stream.indirect.gather [spmem:s2], $0x80, s9, s9, $0xb8;
	[tilespmem:$0xA140] =	vst v63  }
0x5d: {  	_ =	swait.ge [sflag:s21], $0x4000  }
0x5e: {  	[sflag:s21] =	ssyncset.done $0x0  }
0x5f: {  	[sflag:s21] =	ssyncadd.s32 $0xFFFFC000  }
0x60: {  	[hbm4b:s22+s3] =	stream.linear.scatter [tilespmem:s20], [sflag:$0x6], $0x4000, $0x38;
	[tilespmem:$0xA140] =	vst v63  }
0x61: {  	_ =	swait.ge [sflag:s23], $0x80  }
0x62: {  	[sflag:s23] =	ssyncset.done $0x0  }
0x63: {  	[sflag:s23] =	ssyncadd.s32 $0xFFFFFF80  }
0x64: {  	_ =	swait.ge [sflag:s15], $0x4000  }
0x65: {  	[sflag:s15] =	ssyncset.done $0x0  }
0x66: {  	[sflag:s15] =	ssyncadd.s32 $0xFFFFC000  }
0x67: {  	[tilespmem:s16], [sflag:$0x3] =	stream.indirect.gather [spmem:s2], $0x80, s11, s9, $0xb8;
	[tilespmem:$0xA140] =	vst v63  }
0x68: {  	_ =	swait.ge [sflag:s24], $0x4000  }
0x69: {  	[sflag:s24] =	ssyncset.done $0x0  }
0x6a: {  	[sflag:s24] =	ssyncadd.s32 $0xFFFFC000  }
0x6b: {  	[hbm4b:s25+s3] =	stream.linear.scatter [tilespmem:s16], [sflag:$0x7], $0x4000, $0x38;
	[tilespmem:$0xA140] =	vst v63  }
0x6c: {  	_ =	swait.ge [sflag:s26], $0x80  }
0x6d: {  	[sflag:s26] =	ssyncset.done $0x0  }
0x6e: {  	[sflag:s26] =	ssyncadd.s32 $0xFFFFFF80  }
0x6f: {  	_ =	swait.ge [sflag:s19], $0x4000  }
0x70: {  	[sflag:s19] =	ssyncset.done $0x0  }
0x71: {  	[sflag:s19] =	ssyncadd.s32 $0xFFFFC000  }
0x72: {  	[tilespmem:s20], [sflag:$0x4] =	stream.indirect.gather [spmem:s2], $0x80, s13, s9, $0xb8;
	[tilespmem:$0xA140] =	vst v63  }
0x73: {  	_ =	swait.ge [sflag:s28], $0x4000  }
0x74: {  	[sflag:s28] =	ssyncset.done $0x0  }
0x75: {  	[sflag:s28] =	ssyncadd.s32 $0xFFFFC000  }
0x76: {  	[hbm4b:s29+s3] =	stream.linear.scatter [tilespmem:s20], [sflag:$0x8], $0x4000, $0x38;
	[tilespmem:$0xA140] =	vst v63  }
.Ltmp1:
0x77: {  	_ =	swait.ge [sflag:s23], $0x4000;
	(pc) =	sbr.rel @p0 .LBB2_1-.Ltmp1, $4  }
0x78: {  	[sflag:s23] =	ssyncset.done $0x0  }
0x79: {  	[sflag:s23] =	ssyncadd.s32 $0xFFFFC000  }
0x7a: {  	_ =	swait.ge [sflag:s26], $0x4000  }
0x7b: {  	[sflag:s26] =	ssyncset.done $0x0  }
.LBB2_2:
0x7c: {  	[sflag:s26] =	ssyncadd.s32 $0xFFFFC000  }
0x7d: {  	_ =	sfence.sel $0x180000  }
0x7e: {  	[bflag:$0x0] =	sbarrier.arrive $0xFFFF  }
0x7f: {  	p0 =	sne.s32 s1, $0x0;
	_ =	strace $0x90000047  }
0x80: {  	s0 =	sadd.s32 @!p0 $0x100000, s0;
	[bflag:$0x2] =	sbarrier.arrive $0xFFFF  }
0x81: {  	[sflag:s0] =	ssyncadd.tile.s32 @!p0 $0x1;
	_ =	shalt  }
.Lfunc_end2:
_tile_overlayer_lowered:
.L_overlay_start_2:
0x82: {  	(tag) =	ssettag $0x2  }
0x83: {  	s0 =	rddreg [dreg:$0x0];
	s2 =	stileid.u32  }
0x84: {  	s1 =	rddreg [dreg:$0x1];
	p0 =	sne.s32 s2, $0x0  }
0x85: {  	s3 =	rddreg [dreg:$0x2];
	[bflag:$0x3] =	sbarrier.arrive $0xFFFF;
	s2 =	simm.s32 @!p0 $0x1C0A  }
0x86: {  	[timem:s3], [sflag:s2] =	dma.local @!p0 [hbm:s0], s1  }
0x87: {  	s0 =	simm.s32 @!p0 $0xA  }
0x88: {  	_ =	swait.ge @!p0 [sflag:s0], s1  }
0x89: {  	s1 =	ssub.s32 @!p0 $0x0, s1;
	[sflag:s0] =	ssyncset.done @!p0 $0x0  }
0x8a: {  	[sflag:s0] =	ssyncadd.s32 @!p0 s1  }
0x8b: {  	[bflag:$0x3] =	sbarrier.arrive $0xFFFF  }
0x8c: {  	_ =	shalt  }

</sc_bundles>
